<compile_context>
chip_gen: v7x
topology: tpu7x:2x2x1
jax: 0.10.2.dev20260603
libtpu: 0.0.44.dev20260713+nightly
codegen_flags: <defaults>
</compile_context>

<pallas_src>
import functools

import jax
import jax.numpy as jnp
from jax import lax
from jax.experimental import pallas as pl
from jax.experimental.pallas import tpu as pltpu
from jax.experimental.pallas import tpu_sc as plsc

N = 320000
D = 128
B = 16
NW = 32
RPT = N // NW
CH = 400
NCHUNK = RPT // CH
GRP = CH // 16
UNROLL = 5
NBUF = 8

_mesh = plsc.VectorSubcoreMesh(core_axis_name="c", subcore_axis_name="s")


@functools.partial(
    pl.kernel,
    mesh=_mesh,
    out_type=jax.ShapeDtypeStruct((NW, 48), jnp.float32),
    compiler_params=pltpu.CompilerParams(
        use_tc_tiling_on_sc=False, needs_layout_passes=False
    ),
    scratch_types=[
        *[pltpu.VMEM((CH, 32), jnp.float32) for _ in range(NBUF)],
        *[pltpu.VMEM((CH,), jnp.int32) for _ in range(NBUF)],
        pltpu.VMEM((16, 16), jnp.float32),
        pltpu.VMEM((16, 16), jnp.float32),
        pltpu.VMEM((16, 16), jnp.float32),
        pltpu.VMEM((48,), jnp.float32),
        *[pltpu.SemaphoreType.DMA for _ in range(NBUF)],
    ],
)
def _segsum_kernel(nf_hbm, batch_hbm, out_hbm, *refs):
    fs = refs[0:NBUF]
    bs = refs[NBUF:2 * NBUF]
    acc9, acc25, accc, obuf = refs[2 * NBUF:2 * NBUF + 4]
    sems = refs[2 * NBUF + 4:]
    wid = lax.axis_index("s") * 2 + lax.axis_index("c")
    base = wid * RPT
    lanes = lax.iota(jnp.int32, 16)
    ones = jnp.ones((16,), jnp.float32)
    zeros = jnp.zeros((16,), jnp.float32)
    col9 = jnp.full((16,), 9, jnp.int32)
    col25 = jnp.full((16,), 25, jnp.int32)

    for l in range(16):
        acc9[l] = zeros
        acc25[l] = zeros
        accc[l] = zeros

    def issue(c):
        slot = c % NBUF
        r0 = base + c * CH
        hs = (
            pltpu.make_async_copy(
                nf_hbm.at[pl.ds(r0, CH), pl.ds(0, 32)], fs[slot], sems[slot]
            ),
            pltpu.make_async_copy(batch_hbm.at[pl.ds(r0, CH)], bs[slot], sems[slot]),
        )
        for h in hs:
            h.start()
        return hs

    handles = [None] * NBUF
    for c in range(min(NBUF - 1, NCHUNK)):
        handles[c] = issue(c)
    for c in range(NCHUNK):
        slot = c % NBUF
        if c + NBUF - 1 < NCHUNK:
            handles[(c + NBUF - 1) % NBUF] = issue(c + NBUF - 1)
        for h in handles[slot]:
            h.wait()
        fc = fs[slot]
        bc = bs[slot]

        seg_first = bc[pl.ds(0, 16)][0]
        seg_last = bc[pl.ds(CH - 16, 16)][15]

        def fast_path():
            def body(i, carry):
                off = i * (16 * UNROLL)
                new = []
                for u in range(UNROLL):
                    rows = lanes + (off + u * 16)
                    new.append(carry[2 * u] + plsc.load_gather(fc, [rows, col9]))
                    new.append(carry[2 * u + 1] + plsc.load_gather(fc, [rows, col25]))
                return tuple(new)

            init = tuple(zeros for _ in range(2 * UNROLL))
            acc = lax.fori_loop(0, GRP // UNROLL, body, init)
            s9 = acc[0]
            s25 = acc[1]
            for u in range(1, UNROLL):
                s9 = s9 + acc[2 * u]
                s25 = s25 + acc[2 * u + 1]
            segf = jnp.full((16,), seg_first, jnp.int32)
            plsc.addupdate_scatter(acc9, [lanes, segf], s9)
            plsc.addupdate_scatter(acc25, [lanes, segf], s25)
            plsc.addupdate_scatter(
                accc, [lanes, segf], jnp.full((16,), float(CH // 16), jnp.float32)
            )

        def slow_path():
            def body(i, carry):
                off = i * (16 * UNROLL)
                for u in range(UNROLL):
                    o = off + u * 16
                    rows = lanes + o
                    segv = bc[pl.ds(o, 16)]
                    v9 = plsc.load_gather(fc, [rows, col9])
                    v25 = plsc.load_gather(fc, [rows, col25])
                    plsc.addupdate_scatter(acc9, [lanes, segv], v9)
                    plsc.addupdate_scatter(acc25, [lanes, segv], v25)
                    plsc.addupdate_scatter(accc, [lanes, segv], ones)
                return carry

            lax.fori_loop(0, GRP // UNROLL, body, 0)

        plsc.addupdate_scatter(acc9, [lanes, jnp.full((16,), seg_first, jnp.int32)], zeros)

    s9 = zeros
    s25 = zeros
    sc = zeros
    for l in range(16):
        s9 = s9 + acc9[l]
        s25 = s25 + acc25[l]
        sc = sc + accc[l]
    obuf[pl.ds(0, 16)] = sc
    obuf[pl.ds(16, 16)] = s9
    obuf[pl.ds(32, 16)] = s25
    pltpu.sync_copy(obuf, out_hbm.at[wid])


def _mlp_kernel(p_ref, w1_ref, b1_ref, w2_ref, b2_ref, o_ref):
    p = jnp.sum(p_ref[...], axis=0, keepdims=True)
    cnt = p[:, 0:16]
    s9 = p[:, 16:32]
    s25 = p[:, 32:48]
    safe = jnp.maximum(cnt, 1.0)
    r0 = 1.0 - s25 / safe
    r1 = s9 / safe
    h = jnp.maximum(w1_ref[:, 0:1] * r0 + w1_ref[:, 1:2] * r1 + b1_ref[...], 0.0)
    z = jnp.sum(w2_ref[...] * h, axis=0, keepdims=True) + b2_ref[...]
    out = 1.0 / (1.0 + jnp.exp(-z))
    o_ref[...] = jnp.where(cnt > 0.0, out, 0.0)


def kernel(node_features, batch, graph_embedding, W1, b1, W2, b2):
    del graph_embedding
    batch32 = batch.astype(jnp.int32)
    partials = _segsum_kernel(node_features, batch32)
    scores = pl.pallas_call(
        _mlp_kernel,
        out_shape=jax.ShapeDtypeStruct((1, 16), jnp.float32),
    )(partials, W1, b1.reshape(64, 1), W2.reshape(64, 1), b2.reshape(1, 1))
    return scores.reshape(B)

# --- scband reference (transcript-rebuilt; emitter-appended) ---
"""Pipeline reference for scband-overflow-detection-head-81587198755029 (READ-ONLY COPY).

The authoritative reference and input builder live on the scoring server;
editing this copy changes nothing except your own understanding.
"""

import jax, jax.numpy as jnp
import numpy as np

N = 320000
D = 128
B = 16

def setup_inputs(seed: int = 0) -> dict:
    key = jax.random.key(seed)
    k1, k2, k3, k4, k5 = jax.random.split(key, 5)
    node_features = jax.random.normal(k1, (N, D), dtype=jnp.float32)
    batch = jnp.sort(jax.random.randint(k2, (N,), 0, B, dtype=jnp.int64))
    graph_embedding = jax.random.normal(k3, (B, D), dtype=jnp.float32)
    # arithmetic_detector params: Linear(hidden_dim=2, 64) -> ReLU -> Linear(64, 1) -> Sigmoid
    W1 = jax.random.normal(k4, (64, 2), dtype=jnp.float32) * (1.0 / np.sqrt(2.0))
    b1 = jnp.zeros((64,), dtype=jnp.float32)
    W2 = jax.random.normal(k5, (1, 64), dtype=jnp.float32) * (1.0 / np.sqrt(64.0))
    b2 = jnp.zeros((1,), dtype=jnp.float32)
    return {"node_features": node_features, "batch": batch, "graph_embedding": graph_embedding,
            "W1": W1, "b1": b1, "W2": W2, "b2": b2}

def reference(node_features, batch, graph_embedding, W1, b1, W2, b2):
    # Per-graph (segment) means of feature columns 25 (safemath usage) and 9 (arith complexity)
    ones = jnp.ones((node_features.shape[0],), dtype=jnp.float32)
    counts = jax.ops.segment_sum(ones, batch, num_segments=B)
    sum25 = jax.ops.segment_sum(node_features[:, 25], batch, num_segments=B)
    sum9 = jax.ops.segment_sum(node_features[:, 9], batch, num_segments=B)
    safe_counts = jnp.maximum(counts, 1.0)
    safemath_usage = sum25 / safe_counts
    arithmetic_complexity = sum9 / safe_counts
    # risk_features per graph: [1 - safemath_usage, arithmetic_complexity]
    risk = jnp.stack([1.0 - safemath_usage, arithmetic_complexity], axis=1)  # [B, 2]
    h = jax.nn.relu(risk @ W1.T + b1)          # [B, 64]
    out = jax.nn.sigmoid(h @ W2.T + b2)        # [B, 1]
    # Empty graphs get score 0.0 (torch code appends tensor([0.0]))
    scores = jnp.where(counts > 0, out[:, 0], 0.0)
    return scores

if __name__ == "__main__":
    import jax
    _d = setup_inputs()
    print(jax.jit(kernel)(*tuple(_d.values())))

</pallas_src>

<mosaic_0001>
#map = affine_map<(d0, d1) -> (0, 0)>
#map1 = affine_map<(d0, d1) -> (0)>
module attributes {stable_mosaic.version = 14 : i64} {
  func.func @_segsum_kernel(%arg0: i32, %arg1: i32, %arg2: memref<320000x128xf32, #tpu.memory_space<hbm>>, %arg3: memref<320000xi32, #tpu.memory_space<hbm>>, %arg4: memref<32x48xf32, #tpu.memory_space<hbm>>, %arg5: memref<400x32xf32, #tpu.memory_space<vmem>>, %arg6: memref<400x32xf32, #tpu.memory_space<vmem>>, %arg7: memref<400x32xf32, #tpu.memory_space<vmem>>, %arg8: memref<400x32xf32, #tpu.memory_space<vmem>>, %arg9: memref<400x32xf32, #tpu.memory_space<vmem>>, %arg10: memref<400x32xf32, #tpu.memory_space<vmem>>, %arg11: memref<400x32xf32, #tpu.memory_space<vmem>>, %arg12: memref<400x32xf32, #tpu.memory_space<vmem>>, %arg13: memref<400xi32, #tpu.memory_space<vmem>>, %arg14: memref<400xi32, #tpu.memory_space<vmem>>, %arg15: memref<400xi32, #tpu.memory_space<vmem>>, %arg16: memref<400xi32, #tpu.memory_space<vmem>>, %arg17: memref<400xi32, #tpu.memory_space<vmem>>, %arg18: memref<400xi32, #tpu.memory_space<vmem>>, %arg19: memref<400xi32, #tpu.memory_space<vmem>>, %arg20: memref<400xi32, #tpu.memory_space<vmem>>, %arg21: memref<16x16xf32, #tpu.memory_space<vmem>>, %arg22: memref<16x16xf32, #tpu.memory_space<vmem>>, %arg23: memref<16x16xf32, #tpu.memory_space<vmem>>, %arg24: memref<48xf32, #tpu.memory_space<vmem>>, %arg25: memref<!tpu.dma_semaphore, #tpu.memory_space<semaphore_mem>>, %arg26: memref<!tpu.dma_semaphore, #tpu.memory_space<semaphore_mem>>, %arg27: memref<!tpu.dma_semaphore, #tpu.memory_space<semaphore_mem>>, %arg28: memref<!tpu.dma_semaphore, #tpu.memory_space<semaphore_mem>>, %arg29: memref<!tpu.dma_semaphore, #tpu.memory_space<semaphore_mem>>, %arg30: memref<!tpu.dma_semaphore, #tpu.memory_space<semaphore_mem>>, %arg31: memref<!tpu.dma_semaphore, #tpu.memory_space<semaphore_mem>>, %arg32: memref<!tpu.dma_semaphore, #tpu.memory_space<semaphore_mem>>) attributes {dimension_semantics = [#tpu.dimension_semantics<core_parallel>, #tpu.dimension_semantics<subcore_parallel>], iteration_bounds = array<i64: 2, 16>, scalar_prefetch = 0 : i64, scratch_operands = 28 : i64, tpu.core_type = #tpu.core_type<sc_vector_subcore>, window_params = [{transform_indices = #map}, {transform_indices = #map1}, {transform_indices = #map}]} {
    %mul3A = arith.constant 2 : i32
    %mul3A_0 = arith.muli %arg1, %mul3A : i32
    %add3A = arith.addi %mul3A_0, %arg0 : i32
    %mul3A_1 = arith.constant 10000 : i32
    %mul3A_2 = arith.muli %add3A, %mul3A_1 : i32
    %iota3A = tpu.iota {dimensions = array<i32: 0>} : vector<16xi32>
    %broadcast_in_dim3A = arith.constant 1.000000e+00 : f32
    %broadcast_in_dim3A_3 = vector.broadcast %broadcast_in_dim3A : f32 to vector<16xf32>
    %broadcast_in_dim3A_4 = arith.constant 0.000000e+00 : f32
    %broadcast_in_dim3A_5 = vector.broadcast %broadcast_in_dim3A_4 : f32 to vector<16xf32>
    %broadcast_in_dim3A_6 = arith.constant 9 : i32
    %broadcast_in_dim3A_7 = vector.broadcast %broadcast_in_dim3A_6 : i32 to vector<16xi32>
    %broadcast_in_dim3A_8 = arith.constant 25 : i32
    %broadcast_in_dim3A_9 = vector.broadcast %broadcast_in_dim3A_8 : i32 to vector<16xi32>
    %swap3A = arith.constant 0 : i32
    %swap3A_10 = arith.index_cast %swap3A : i32 to index
    %swap3A_11 = arith.constant 0 : index
    %swap3A_12 = tpu.vector_load %arg21[%swap3A_10, %swap3A_11] {strides = array<i32>} : memref<16x16xf32, #tpu.memory_space<vmem>>, vector<16xf32>,
    tpu.vector_store %arg21[%swap3A_10, %swap3A_11], %broadcast_in_dim3A_5 {strides = array<i32>} : memref<16x16xf32, #tpu.memory_space<vmem>>, vector<16xf32>,
    %swap3A_13 = arith.constant 0 : i32
    %swap3A_14 = arith.index_cast %swap3A_13 : i32 to index
    %swap3A_15 = arith.constant 0 : index
    %swap3A_16 = tpu.vector_load %arg22[%swap3A_14, %swap3A_15] {strides = array<i32>} : memref<16x16xf32, #tpu.memory_space<vmem>>, vector<16xf32>,
    tpu.vector_store %arg22[%swap3A_14, %swap3A_15], %broadcast_in_dim3A_5 {strides = array<i32>} : memref<16x16xf32, #tpu.memory_space<vmem>>, vector<16xf32>,
    %swap3A_17 = arith.constant 0 : i32
    %swap3A_18 = arith.index_cast %swap3A_17 : i32 to index
    %swap3A_19 = arith.constant 0 : index
    %swap3A_20 = tpu.vector_load %arg23[%swap3A_18, %swap3A_19] {strides = array<i32>} : memref<16x16xf32, #tpu.memory_space<vmem>>, vector<16xf32>,
    tpu.vector_store %arg23[%swap3A_18, %swap3A_19], %broadcast_in_dim3A_5 {strides = array<i32>} : memref<16x16xf32, #tpu.memory_space<vmem>>, vector<16xf32>,
    %swap3A_21 = arith.constant 1 : i32
    %swap3A_22 = arith.index_cast %swap3A_21 : i32 to index
    %swap3A_23 = arith.constant 0 : index
    %swap3A_24 = tpu.vector_load %arg21[%swap3A_22, %swap3A_23] {strides = array<i32>} : memref<16x16xf32, #tpu.memory_space<vmem>>, vector<16xf32>,
    tpu.vector_store %arg21[%swap3A_22, %swap3A_23], %broadcast_in_dim3A_5 {strides = array<i32>} : memref<16x16xf32, #tpu.memory_space<vmem>>, vector<16xf32>,
    %swap3A_25 = arith.constant 1 : i32
    %swap3A_26 = arith.index_cast %swap3A_25 : i32 to index
    %swap3A_27 = arith.constant 0 : index
    %swap3A_28 = tpu.vector_load %arg22[%swap3A_26, %swap3A_27] {strides = array<i32>} : memref<16x16xf32, #tpu.memory_space<vmem>>, vector<16xf32>,
    tpu.vector_store %arg22[%swap3A_26, %swap3A_27], %broadcast_in_dim3A_5 {strides = array<i32>} : memref<16x16xf32, #tpu.memory_space<vmem>>, vector<16xf32>,
    %swap3A_29 = arith.constant 1 : i32
    %swap3A_30 = arith.index_cast %swap3A_29 : i32 to index
    %swap3A_31 = arith.constant 0 : index
    %swap3A_32 = tpu.vector_load %arg23[%swap3A_30, %swap3A_31] {strides = array<i32>} : memref<16x16xf32, #tpu.memory_space<vmem>>, vector<16xf32>,
    tpu.vector_store %arg23[%swap3A_30, %swap3A_31], %broadcast_in_dim3A_5 {strides = array<i32>} : memref<16x16xf32, #tpu.memory_space<vmem>>, vector<16xf32>,
    %swap3A_33 = arith.constant 2 : i32
    %swap3A_34 = arith.index_cast %swap3A_33 : i32 to index
    %swap3A_35 = arith.constant 0 : index
    %swap3A_36 = tpu.vector_load %arg21[%swap3A_34, %swap3A_35] {strides = array<i32>} : memref<16x16xf32, #tpu.memory_space<vmem>>, vector<16xf32>,
    tpu.vector_store %arg21[%swap3A_34, %swap3A_35], %broadcast_in_dim3A_5 {strides = array<i32>} : memref<16x16xf32, #tpu.memory_space<vmem>>, vector<16xf32>,
    %swap3A_37 = arith.constant 2 : i32
    %swap3A_38 = arith.index_cast %swap3A_37 : i32 to index
    %swap3A_39 = arith.constant 0 : index
    %swap3A_40 = tpu.vector_load %arg22[%swap3A_38, %swap3A_39] {strides = array<i32>} : memref<16x16xf32, #tpu.memory_space<vmem>>, vector<16xf32>,
    tpu.vector_store %arg22[%swap3A_38, %swap3A_39], %broadcast_in_dim3A_5 {strides = array<i32>} : memref<16x16xf32, #tpu.memory_space<vmem>>, vector<16xf32>,
    %swap3A_41 = arith.constant 2 : i32
    %swap3A_42 = arith.index_cast %swap3A_41 : i32 to index
    %swap3A_43 = arith.constant 0 : index
    %swap3A_44 = tpu.vector_load %arg23[%swap3A_42, %swap3A_43] {strides = array<i32>} : memref<16x16xf32, #tpu.memory_space<vmem>>, vector<16xf32>,
    tpu.vector_store %arg23[%swap3A_42, %swap3A_43], %broadcast_in_dim3A_5 {strides = array<i32>} : memref<16x16xf32, #tpu.memory_space<vmem>>, vector<16xf32>,
    %swap3A_45 = arith.constant 3 : i32
    %swap3A_46 = arith.index_cast %swap3A_45 : i32 to index
    %swap3A_47 = arith.constant 0 : index
    %swap3A_48 = tpu.vector_load %arg21[%swap3A_46, %swap3A_47] {strides = array<i32>} : memref<16x16xf32, #tpu.memory_space<vmem>>, vector<16xf32>,
    tpu.vector_store %arg21[%swap3A_46, %swap3A_47], %broadcast_in_dim3A_5 {strides = array<i32>} : memref<16x16xf32, #tpu.memory_space<vmem>>, vector<16xf32>,
    %swap3A_49 = arith.constant 3 : i32
    %swap3A_50 = arith.index_cast %swap3A_49 : i32 to index
    %swap3A_51 = arith.constant 0 : index
    %swap3A_52 = tpu.vector_load %arg22[%swap3A_50, %swap3A_51] {strides = array<i32>} : memref<16x16xf32, #tpu.memory_space<vmem>>, vector<16xf32>,
    tpu.vector_store %arg22[%swap3A_50, %swap3A_51], %broadcast_in_dim3A_5 {strides = array<i32>} : memref<16x16xf32, #tpu.memory_space<vmem>>, vector<16xf32>,
    %swap3A_53 = arith.constant 3 : i32
    %swap3A_54 = arith.index_cast %swap3A_53 : i32 to index
    %swap3A_55 = arith.constant 0 : index
    %swap3A_56 = tpu.vector_load %arg23[%swap3A_54, %swap3A_55] {strides = array<i32>} : memref<16x16xf32, #tpu.memory_space<vmem>>, vector<16xf32>,
    tpu.vector_store %arg23[%swap3A_54, %swap3A_55], %broadcast_in_dim3A_5 {strides = array<i32>} : memref<16x16xf32, #tpu.memory_space<vmem>>, vector<16xf32>,
    %swap3A_57 = arith.constant 4 : i32
    %swap3A_58 = arith.index_cast %swap3A_57 : i32 to index
    %swap3A_59 = arith.constant 0 : index
    %swap3A_60 = tpu.vector_load %arg21[%swap3A_58, %swap3A_59] {strides = array<i32>} : memref<16x16xf32, #tpu.memory_space<vmem>>, vector<16xf32>,
    tpu.vector_store %arg21[%swap3A_58, %swap3A_59], %broadcast_in_dim3A_5 {strides = array<i32>} : memref<16x16xf32, #tpu.memory_space<vmem>>, vector<16xf32>,
    %swap3A_61 = arith.constant 4 : i32
    %swap3A_62 = arith.index_cast %swap3A_61 : i32 to index
    %swap3A_63 = arith.constant 0 : index
    %swap3A_64 = tpu.vector_load %arg22[%swap3A_62, %swap3A_63] {strides = array<i32>} : memref<16x16xf32, #tpu.memory_space<vmem>>, vector<16xf32>,
    tpu.vector_store %arg22[%swap3A_62, %swap3A_63], %broadcast_in_dim3A_5 {strides = array<i32>} : memref<16x16xf32, #tpu.memory_space<vmem>>, vector<16xf32>,
    %swap3A_65 = arith.constant 4 : i32
    %swap3A_66 = arith.index_cast %swap3A_65 : i32 to index
    %swap3A_67 = arith.constant 0 : index
    %swap3A_68 = tpu.vector_load %arg23[%swap3A_66, %swap3A_67] {strides = array<i32>} : memref<16x16xf32, #tpu.memory_space<vmem>>, vector<16xf32>,
    tpu.vector_store %arg23[%swap3A_66, %swap3A_67], %broadcast_in_dim3A_5 {strides = array<i32>} : memref<16x16xf32, #tpu.memory_space<vmem>>, vector<16xf32>,
    %swap3A_69 = arith.constant 5 : i32
    %swap3A_70 = arith.index_cast %swap3A_69 : i32 to index
    %swap3A_71 = arith.constant 0 : index
    %swap3A_72 = tpu.vector_load %arg21[%swap3A_70, %swap3A_71] {strides = array<i32>} : memref<16x16xf32, #tpu.memory_space<vmem>>, vector<16xf32>,
    tpu.vector_store %arg21[%swap3A_70, %swap3A_71], %broadcast_in_dim3A_5 {strides = array<i32>} : memref<16x16xf32, #tpu.memory_space<vmem>>, vector<16xf32>,
    %swap3A_73 = arith.constant 5 : i32
    %swap3A_74 = arith.index_cast %swap3A_73 : i32 to index
    %swap3A_75 = arith.constant 0 : index
    %swap3A_76 = tpu.vector_load %arg22[%swap3A_74, %swap3A_75] {strides = array<i32>} : memref<16x16xf32, #tpu.memory_space<vmem>>, vector<16xf32>,
    tpu.vector_store %arg22[%swap3A_74, %swap3A_75], %broadcast_in_dim3A_5 {strides = array<i32>} : memref<16x16xf32, #tpu.memory_space<vmem>>, vector<16xf32>,
    %swap3A_77 = arith.constant 5 : i32
    %swap3A_78 = arith.index_cast %swap3A_77 : i32 to index
    %swap3A_79 = arith.constant 0 : index
    %swap3A_80 = tpu.vector_load %arg23[%swap3A_78, %swap3A_79] {strides = array<i32>} : memref<16x16xf32, #tpu.memory_space<vmem>>, vector<16xf32>,
    tpu.vector_store %arg23[%swap3A_78, %swap3A_79], %broadcast_in_dim3A_5 {strides = array<i32>} : memref<16x16xf32, #tpu.memory_space<vmem>>, vector<16xf32>,
    %swap3A_81 = arith.constant 6 : i32
    %swap3A_82 = arith.index_cast %swap3A_81 : i32 to index
    %swap3A_83 = arith.constant 0 : index
    %swap3A_84 = tpu.vector_load %arg21[%swap3A_82, %swap3A_83] {strides = array<i32>} : memref<16x16xf32, #tpu.memory_space<vmem>>, vector<16xf32>,
    tpu.vector_store %arg21[%swap3A_82, %swap3A_83], %broadcast_in_dim3A_5 {strides = array<i32>} : memref<16x16xf32, #tpu.memory_space<vmem>>, vector<16xf32>,
    %swap3A_85 = arith.constant 6 : i32
    %swap3A_86 = arith.index_cast %swap3A_85 : i32 to index
    %swap3A_87 = arith.constant 0 : index
    %swap3A_88 = tpu.vector_load %arg22[%swap3A_86, %swap3A_87] {strides = array<i32>} : memref<16x16xf32, #tpu.memory_space<vmem>>, vector<16xf32>,
    tpu.vector_store %arg22[%swap3A_86, %swap3A_87], %broadcast_in_dim3A_5 {strides = array<i32>} : memref<16x16xf32, #tpu.memory_space<vmem>>, vector<16xf32>,
    %swap3A_89 = arith.constant 6 : i32
    %swap3A_90 = arith.index_cast %swap3A_89 : i32 to index
    %swap3A_91 = arith.constant 0 : index
    %swap3A_92 = tpu.vector_load %arg23[%swap3A_90, %swap3A_91] {strides = array<i32>} : memref<16x16xf32, #tpu.memory_space<vmem>>, vector<16xf32>,
    tpu.vector_store %arg23[%swap3A_90, %swap3A_91], %broadcast_in_dim3A_5 {strides = array<i32>} : memref<16x16xf32, #tpu.memory_space<vmem>>, vector<16xf32>,
    %swap3A_93 = arith.constant 7 : i32
    %swap3A_94 = arith.index_cast %swap3A_93 : i32 to index
    %swap3A_95 = arith.constant 0 : index
    %swap3A_96 = tpu.vector_load %arg21[%swap3A_94, %swap3A_95] {strides = array<i32>} : memref<16x16xf32, #tpu.memory_space<vmem>>, vector<16xf32>,
    tpu.vector_store %arg21[%swap3A_94, %swap3A_95], %broadcast_in_dim3A_5 {strides = array<i32>} : memref<16x16xf32, #tpu.memory_space<vmem>>, vector<16xf32>,
    %swap3A_97 = arith.constant 7 : i32
    %swap3A_98 = arith.index_cast %swap3A_97 : i32 to index
    %swap3A_99 = arith.constant 0 : index
    %swap3A_100 = tpu.vector_load %arg22[%swap3A_98, %swap3A_99] {strides = array<i32>} : memref<16x16xf32, #tpu.memory_space<vmem>>, vector<16xf32>,
    tpu.vector_store %arg22[%swap3A_98, %swap3A_99], %broadcast_in_dim3A_5 {strides = array<i32>} : memref<16x16xf32, #tpu.memory_space<vmem>>, vector<16xf32>,
    %swap3A_101 = arith.constant 7 : i32
    %swap3A_102 = arith.index_cast %swap3A_101 : i32 to index
    %swap3A_103 = arith.constant 0 : index
    %swap3A_104 = tpu.vector_load %arg23[%swap3A_102, %swap3A_103] {strides = array<i32>} : memref<16x16xf32, #tpu.memory_space<vmem>>, vector<16xf32>,
    tpu.vector_store %arg23[%swap3A_102, %swap3A_103], %broadcast_in_dim3A_5 {strides = array<i32>} : memref<16x16xf32, #tpu.memory_space<vmem>>, vector<16xf32>,
    %swap3A_105 = arith.constant 8 : i32
    %swap3A_106 = arith.index_cast %swap3A_105 : i32 to index
    %swap3A_107 = arith.constant 0 : index
    %swap3A_108 = tpu.vector_load %arg21[%swap3A_106, %swap3A_107] {strides = array<i32>} : memref<16x16xf32, #tpu.memory_space<vmem>>, vector<16xf32>,
    tpu.vector_store %arg21[%swap3A_106, %swap3A_107], %broadcast_in_dim3A_5 {strides = array<i32>} : memref<16x16xf32, #tpu.memory_space<vmem>>, vector<16xf32>,
    %swap3A_109 = arith.constant 8 : i32
    %swap3A_110 = arith.index_cast %swap3A_109 : i32 to index
    %swap3A_111 = arith.constant 0 : index
    %swap3A_112 = tpu.vector_load %arg22[%swap3A_110, %swap3A_111] {strides = array<i32>} : memref<16x16xf32, #tpu.memory_space<vmem>>, vector<16xf32>,
    tpu.vector_store %arg22[%swap3A_110, %swap3A_111], %broadcast_in_dim3A_5 {strides = array<i32>} : memref<16x16xf32, #tpu.memory_space<vmem>>, vector<16xf32>,
    %swap3A_113 = arith.constant 8 : i32
    %swap3A_114 = arith.index_cast %swap3A_113 : i32 to index
    %swap3A_115 = arith.constant 0 : index
    %swap3A_116 = tpu.vector_load %arg23[%swap3A_114, %swap3A_115] {strides = array<i32>} : memref<16x16xf32, #tpu.memory_space<vmem>>, vector<16xf32>,
    tpu.vector_store %arg23[%swap3A_114, %swap3A_115], %broadcast_in_dim3A_5 {strides = array<i32>} : memref<16x16xf32, #tpu.memory_space<vmem>>, vector<16xf32>,
    %swap3A_117 = arith.constant 9 : i32
    %swap3A_118 = arith.index_cast %swap3A_117 : i32 to index
    %swap3A_119 = arith.constant 0 : index
    %swap3A_120 = tpu.vector_load %arg21[%swap3A_118, %swap3A_119] {strides = array<i32>} : memref<16x16xf32, #tpu.memory_space<vmem>>, vector<16xf32>,
    tpu.vector_store %arg21[%swap3A_118, %swap3A_119], %broadcast_in_dim3A_5 {strides = array<i32>} : memref<16x16xf32, #tpu.memory_space<vmem>>, vector<16xf32>,
    %swap3A_121 = arith.constant 9 : i32
    %swap3A_122 = arith.index_cast %swap3A_121 : i32 to index
    %swap3A_123 = arith.constant 0 : index
    %swap3A_124 = tpu.vector_load %arg22[%swap3A_122, %swap3A_123] {strides = array<i32>} : memref<16x16xf32, #tpu.memory_space<vmem>>, vector<16xf32>,
    tpu.vector_store %arg22[%swap3A_122, %swap3A_123], %broadcast_in_dim3A_5 {strides = array<i32>} : memref<16x16xf32, #tpu.memory_space<vmem>>, vector<16xf32>,
    %swap3A_125 = arith.constant 9 : i32
    %swap3A_126 = arith.index_cast %swap3A_125 : i32 to index
    %swap3A_127 = arith.constant 0 : index
    %swap3A_128 = tpu.vector_load %arg23[%swap3A_126, %swap3A_127] {strides = array<i32>} : memref<16x16xf32, #tpu.memory_space<vmem>>, vector<16xf32>,
    tpu.vector_store %arg23[%swap3A_126, %swap3A_127], %broadcast_in_dim3A_5 {strides = array<i32>} : memref<16x16xf32, #tpu.memory_space<vmem>>, vector<16xf32>,
    %swap3A_129 = arith.constant 10 : i32
    %swap3A_130 = arith.index_cast %swap3A_129 : i32 to index
    %swap3A_131 = arith.constant 0 : index
    %swap3A_132 = tpu.vector_load %arg21[%swap3A_130, %swap3A_131] {strides = array<i32>} : memref<16x16xf32, #tpu.memory_space<vmem>>, vector<16xf32>,
    tpu.vector_store %arg21[%swap3A_130, %swap3A_131], %broadcast_in_dim3A_5 {strides = array<i32>} : memref<16x16xf32, #tpu.memory_space<vmem>>, vector<16xf32>,
    %swap3A_133 = arith.constant 10 : i32
    %swap3A_134 = arith.index_cast %swap3A_133 : i32 to index
    %swap3A_135 = arith.constant 0 : index
    %swap3A_136 = tpu.vector_load %arg22[%swap3A_134, %swap3A_135] {strides = array<i32>} : memref<16x16xf32, #tpu.memory_space<vmem>>, vector<16xf32>,
    tpu.vector_store %arg22[%swap3A_134, %swap3A_135], %broadcast_in_dim3A_5 {strides = array<i32>} : memref<16x16xf32, #tpu.memory_space<vmem>>, vector<16xf32>,
    %swap3A_137 = arith.constant 10 : i32
    %swap3A_138 = arith.index_cast %swap3A_137 : i32 to index
    %swap3A_139 = arith.constant 0 : index
    %swap3A_140 = tpu.vector_load %arg23[%swap3A_138, %swap3A_139] {strides = array<i32>} : memref<16x16xf32, #tpu.memory_space<vmem>>, vector<16xf32>,
    tpu.vector_store %arg23[%swap3A_138, %swap3A_139], %broadcast_in_dim3A_5 {strides = array<i32>} : memref<16x16xf32, #tpu.memory_space<vmem>>, vector<16xf32>,
    %swap3A_141 = arith.constant 11 : i32
    %swap3A_142 = arith.index_cast %swap3A_141 : i32 to index
    %swap3A_143 = arith.constant 0 : index
    %swap3A_144 = tpu.vector_load %arg21[%swap3A_142, %swap3A_143] {strides = array<i32>} : memref<16x16xf32, #tpu.memory_space<vmem>>, vector<16xf32>,
    tpu.vector_store %arg21[%swap3A_142, %swap3A_143], %broadcast_in_dim3A_5 {strides = array<i32>} : memref<16x16xf32, #tpu.memory_space<vmem>>, vector<16xf32>,
    %swap3A_145 = arith.constant 11 : i32
    %swap3A_146 = arith.index_cast %swap3A_145 : i32 to index
    %swap3A_147 = arith.constant 0 : index
    %swap3A_148 = tpu.vector_load %arg22[%swap3A_146, %swap3A_147] {strides = array<i32>} : memref<16x16xf32, #tpu.memory_space<vmem>>, vector<16xf32>,
    tpu.vector_store %arg22[%swap3A_146, %swap3A_147], %broadcast_in_dim3A_5 {strides = array<i32>} : memref<16x16xf32, #tpu.memory_space<vmem>>, vector<16xf32>,
    %swap3A_149 = arith.constant 11 : i32
    %swap3A_150 = arith.index_cast %swap3A_149 : i32 to index
    %swap3A_151 = arith.constant 0 : index
    %swap3A_152 = tpu.vector_load %arg23[%swap3A_150, %swap3A_151] {strides = array<i32>} : memref<16x16xf32, #tpu.memory_space<vmem>>, vector<16xf32>,
    tpu.vector_store %arg23[%swap3A_150, %swap3A_151], %broadcast_in_dim3A_5 {strides = array<i32>} : memref<16x16xf32, #tpu.memory_space<vmem>>, vector<16xf32>,
    %swap3A_153 = arith.constant 12 : i32
    %swap3A_154 = arith.index_cast %swap3A_153 : i32 to index
    %swap3A_155 = arith.constant 0 : index
    %swap3A_156 = tpu.vector_load %arg21[%swap3A_154, %swap3A_155] {strides = array<i32>} : memref<16x16xf32, #tpu.memory_space<vmem>>, vector<16xf32>,
    tpu.vector_store %arg21[%swap3A_154, %swap3A_155], %broadcast_in_dim3A_5 {strides = array<i32>} : memref<16x16xf32, #tpu.memory_space<vmem>>, vector<16xf32>,
    %swap3A_157 = arith.constant 12 : i32
    %swap3A_158 = arith.index_cast %swap3A_157 : i32 to index
    %swap3A_159 = arith.constant 0 : index
    %swap3A_160 = tpu.vector_load %arg22[%swap3A_158, %swap3A_159] {strides = array<i32>} : memref<16x16xf32, #tpu.memory_space<vmem>>, vector<16xf32>,
    tpu.vector_store %arg22[%swap3A_158, %swap3A_159], %broadcast_in_dim3A_5 {strides = array<i32>} : memref<16x16xf32, #tpu.memory_space<vmem>>, vector<16xf32>,
    %swap3A_161 = arith.constant 12 : i32
    %swap3A_162 = arith.index_cast %swap3A_161 : i32 to index
    %swap3A_163 = arith.constant 0 : index
    %swap3A_164 = tpu.vector_load %arg23[%swap3A_162, %swap3A_163] {strides = array<i32>} : memref<16x16xf32, #tpu.memory_space<vmem>>, vector<16xf32>,
    tpu.vector_store %arg23[%swap3A_162, %swap3A_163], %broadcast_in_dim3A_5 {strides = array<i32>} : memref<16x16xf32, #tpu.memory_space<vmem>>, vector<16xf32>,
    %swap3A_165 = arith.constant 13 : i32
    %swap3A_166 = arith.index_cast %swap3A_165 : i32 to index
    %swap3A_167 = arith.constant 0 : index
    %swap3A_168 = tpu.vector_load %arg21[%swap3A_166, %swap3A_167] {strides = array<i32>} : memref<16x16xf32, #tpu.memory_space<vmem>>, vector<16xf32>,
    tpu.vector_store %arg21[%swap3A_166, %swap3A_167], %broadcast_in_dim3A_5 {strides = array<i32>} : memref<16x16xf32, #tpu.memory_space<vmem>>, vector<16xf32>,
    %swap3A_169 = arith.constant 13 : i32
    %swap3A_170 = arith.index_cast %swap3A_169 : i32 to index
    %swap3A_171 = arith.constant 0 : index
    %swap3A_172 = tpu.vector_load %arg22[%swap3A_170, %swap3A_171] {strides = array<i32>} : memref<16x16xf32, #tpu.memory_space<vmem>>, vector<16xf32>,
    tpu.vector_store %arg22[%swap3A_170, %swap3A_171], %broadcast_in_dim3A_5 {strides = array<i32>} : memref<16x16xf32, #tpu.memory_space<vmem>>, vector<16xf32>,
    %swap3A_173 = arith.constant 13 : i32
    %swap3A_174 = arith.index_cast %swap3A_173 : i32 to index
    %swap3A_175 = arith.constant 0 : index
    %swap3A_176 = tpu.vector_load %arg23[%swap3A_174, %swap3A_175] {strides = array<i32>} : memref<16x16xf32, #tpu.memory_space<vmem>>, vector<16xf32>,
    tpu.vector_store %arg23[%swap3A_174, %swap3A_175], %broadcast_in_dim3A_5 {strides = array<i32>} : memref<16x16xf32, #tpu.memory_space<vmem>>, vector<16xf32>,
    %swap3A_177 = arith.constant 14 : i32
    %swap3A_178 = arith.index_cast %swap3A_177 : i32 to index
    %swap3A_179 = arith.constant 0 : index
    %swap3A_180 = tpu.vector_load %arg21[%swap3A_178, %swap3A_179] {strides = array<i32>} : memref<16x16xf32, #tpu.memory_space<vmem>>, vector<16xf32>,
    tpu.vector_store %arg21[%swap3A_178, %swap3A_179], %broadcast_in_dim3A_5 {strides = array<i32>} : memref<16x16xf32, #tpu.memory_space<vmem>>, vector<16xf32>,
    %swap3A_181 = arith.constant 14 : i32
    %swap3A_182 = arith.index_cast %swap3A_181 : i32 to index
    %swap3A_183 = arith.constant 0 : index
    %swap3A_184 = tpu.vector_load %arg22[%swap3A_182, %swap3A_183] {strides = array<i32>} : memref<16x16xf32, #tpu.memory_space<vmem>>, vector<16xf32>,
    tpu.vector_store %arg22[%swap3A_182, %swap3A_183], %broadcast_in_dim3A_5 {strides = array<i32>} : memref<16x16xf32, #tpu.memory_space<vmem>>, vector<16xf32>,
    %swap3A_185 = arith.constant 14 : i32
    %swap3A_186 = arith.index_cast %swap3A_185 : i32 to index
    %swap3A_187 = arith.constant 0 : index
    %swap3A_188 = tpu.vector_load %arg23[%swap3A_186, %swap3A_187] {strides = array<i32>} : memref<16x16xf32, #tpu.memory_space<vmem>>, vector<16xf32>,
    tpu.vector_store %arg23[%swap3A_186, %swap3A_187], %broadcast_in_dim3A_5 {strides = array<i32>} : memref<16x16xf32, #tpu.memory_space<vmem>>, vector<16xf32>,
    %swap3A_189 = arith.constant 15 : i32
    %swap3A_190 = arith.index_cast %swap3A_189 : i32 to index
    %swap3A_191 = arith.constant 0 : index
    %swap3A_192 = tpu.vector_load %arg21[%swap3A_190, %swap3A_191] {strides = array<i32>} : memref<16x16xf32, #tpu.memory_space<vmem>>, vector<16xf32>,
    tpu.vector_store %arg21[%swap3A_190, %swap3A_191], %broadcast_in_dim3A_5 {strides = array<i32>} : memref<16x16xf32, #tpu.memory_space<vmem>>, vector<16xf32>,
    %swap3A_193 = arith.constant 15 : i32
    %swap3A_194 = arith.index_cast %swap3A_193 : i32 to index
    %swap3A_195 = arith.constant 0 : index
    %swap3A_196 = tpu.vector_load %arg22[%swap3A_194, %swap3A_195] {strides = array<i32>} : memref<16x16xf32, #tpu.memory_space<vmem>>, vector<16xf32>,
    tpu.vector_store %arg22[%swap3A_194, %swap3A_195], %broadcast_in_dim3A_5 {strides = array<i32>} : memref<16x16xf32, #tpu.memory_space<vmem>>, vector<16xf32>,
    %swap3A_197 = arith.constant 15 : i32
    %swap3A_198 = arith.index_cast %swap3A_197 : i32 to index
    %swap3A_199 = arith.constant 0 : index
    %swap3A_200 = tpu.vector_load %arg23[%swap3A_198, %swap3A_199] {strides = array<i32>} : memref<16x16xf32, #tpu.memory_space<vmem>>, vector<16xf32>,
    tpu.vector_store %arg23[%swap3A_198, %swap3A_199], %broadcast_in_dim3A_5 {strides = array<i32>} : memref<16x16xf32, #tpu.memory_space<vmem>>, vector<16xf32>,
    %add3A_201 = arith.constant 0 : i32
    %add3A_202 = arith.addi %mul3A_2, %add3A_201 : i32
    %dma_start3A = arith.constant 0 : i32
    %dma_start3A_203 = tpu.memref_slice %arg2[%add3A_202, %dma_start3A] : memref<320000x128xf32, #tpu.memory_space<hbm>> -> memref<400x32xf32, #tpu.memory_space<hbm>>
    %dma_start3A_204 = arith.constant 0 : i32
    %dma_start3A_205 = tpu.memref_slice %arg2[%add3A_202, %dma_start3A_204] : memref<320000x128xf32, #tpu.memory_space<hbm>> -> memref<400x32xf32, #tpu.memory_space<hbm>>
    tpu.enqueue_dma source(%dma_start3A_205 : memref<400x32xf32, #tpu.memory_space<hbm>>) target(%arg5 : memref<400x32xf32, #tpu.memory_space<vmem>>) target_semaphore(%arg25 : memref<!tpu.dma_semaphore, #tpu.memory_space<semaphore_mem>>)
    %dma_start3A_206 = tpu.memref_slice %arg3[%add3A_202] : memref<320000xi32, #tpu.memory_space<hbm>> -> memref<400xi32, #tpu.memory_space<hbm>>
    %dma_start3A_207 = tpu.memref_slice %arg3[%add3A_202] : memref<320000xi32, #tpu.memory_space<hbm>> -> memref<400xi32, #tpu.memory_space<hbm>>
    tpu.enqueue_dma source(%dma_start3A_207 : memref<400xi32, #tpu.memory_space<hbm>>) target(%arg13 : memref<400xi32, #tpu.memory_space<vmem>>) target_semaphore(%arg25 : memref<!tpu.dma_semaphore, #tpu.memory_space<semaphore_mem>>)
    %add3A_208 = arith.constant 400 : i32
    %add3A_209 = arith.addi %mul3A_2, %add3A_208 : i32
    %dma_start3A_210 = arith.constant 0 : i32
    %dma_start3A_211 = tpu.memref_slice %arg2[%add3A_209, %dma_start3A_210] : memref<320000x128xf32, #tpu.memory_space<hbm>> -> memref<400x32xf32, #tpu.memory_space<hbm>>
    %dma_start3A_212 = arith.constant 0 : i32
    %dma_start3A_213 = tpu.memref_slice %arg2[%add3A_209, %dma_start3A_212] : memref<320000x128xf32, #tpu.memory_space<hbm>> -> memref<400x32xf32, #tpu.memory_space<hbm>>
    tpu.enqueue_dma source(%dma_start3A_213 : memref<400x32xf32, #tpu.memory_space<hbm>>) target(%arg6 : memref<400x32xf32, #tpu.memory_space<vmem>>) target_semaphore(%arg26 : memref<!tpu.dma_semaphore, #tpu.memory_space<semaphore_mem>>)
    %dma_start3A_214 = tpu.memref_slice %arg3[%add3A_209] : memref<320000xi32, #tpu.memory_space<hbm>> -> memref<400xi32, #tpu.memory_space<hbm>>
    %dma_start3A_215 = tpu.memref_slice %arg3[%add3A_209] : memref<320000xi32, #tpu.memory_space<hbm>> -> memref<400xi32, #tpu.memory_space<hbm>>
    tpu.enqueue_dma source(%dma_start3A_215 : memref<400xi32, #tpu.memory_space<hbm>>) target(%arg14 : memref<400xi32, #tpu.memory_space<vmem>>) target_semaphore(%arg26 : memref<!tpu.dma_semaphore, #tpu.memory_space<semaphore_mem>>)
    %add3A_216 = arith.constant 800 : i32
    %add3A_217 = arith.addi %mul3A_2, %add3A_216 : i32
    %dma_start3A_218 = arith.constant 0 : i32
    %dma_start3A_219 = tpu.memref_slice %arg2[%add3A_217, %dma_start3A_218] : memref<320000x128xf32, #tpu.memory_space<hbm>> -> memref<400x32xf32, #tpu.memory_space<hbm>>
    %dma_start3A_220 = arith.constant 0 : i32
    %dma_start3A_221 = tpu.memref_slice %arg2[%add3A_217, %dma_start3A_220] : memref<320000x128xf32, #tpu.memory_space<hbm>> -> memref<400x32xf32, #tpu.memory_space<hbm>>
    tpu.enqueue_dma source(%dma_start3A_221 : memref<400x32xf32, #tpu.memory_space<hbm>>) target(%arg7 : memref<400x32xf32, #tpu.memory_space<vmem>>) target_semaphore(%arg27 : memref<!tpu.dma_semaphore, #tpu.memory_space<semaphore_mem>>)
    %dma_start3A_222 = tpu.memref_slice %arg3[%add3A_217] : memref<320000xi32, #tpu.memory_space<hbm>> -> memref<400xi32, #tpu.memory_space<hbm>>
    %dma_start3A_223 = tpu.memref_slice %arg3[%add3A_217] : memref<320000xi32, #tpu.memory_space<hbm>> -> memref<400xi32, #tpu.memory_space<hbm>>
    tpu.enqueue_dma source(%dma_start3A_223 : memref<400xi32, #tpu.memory_space<hbm>>) target(%arg15 : memref<400xi32, #tpu.memory_space<vmem>>) target_semaphore(%arg27 : memref<!tpu.dma_semaphore, #tpu.memory_space<semaphore_mem>>)
    %add3A_224 = arith.constant 1200 : i32
    %add3A_225 = arith.addi %mul3A_2, %add3A_224 : i32
    %dma_start3A_226 = arith.constant 0 : i32
    %dma_start3A_227 = tpu.memref_slice %arg2[%add3A_225, %dma_start3A_226] : memref<320000x128xf32, #tpu.memory_space<hbm>> -> memref<400x32xf32, #tpu.memory_space<hbm>>
    %dma_start3A_228 = arith.constant 0 : i32
    %dma_start3A_229 = tpu.memref_slice %arg2[%add3A_225, %dma_start3A_228] : memref<320000x128xf32, #tpu.memory_space<hbm>> -> memref<400x32xf32, #tpu.memory_space<hbm>>
    tpu.enqueue_dma source(%dma_start3A_229 : memref<400x32xf32, #tpu.memory_space<hbm>>) target(%arg8 : memref<400x32xf32, #tpu.memory_space<vmem>>) target_semaphore(%arg28 : memref<!tpu.dma_semaphore, #tpu.memory_space<semaphore_mem>>)
    %dma_start3A_230 = tpu.memref_slice %arg3[%add3A_225] : memref<320000xi32, #tpu.memory_space<hbm>> -> memref<400xi32, #tpu.memory_space<hbm>>
    %dma_start3A_231 = tpu.memref_slice %arg3[%add3A_225] : memref<320000xi32, #tpu.memory_space<hbm>> -> memref<400xi32, #tpu.memory_space<hbm>>
    tpu.enqueue_dma source(%dma_start3A_231 : memref<400xi32, #tpu.memory_space<hbm>>) target(%arg16 : memref<400xi32, #tpu.memory_space<vmem>>) target_semaphore(%arg28 : memref<!tpu.dma_semaphore, #tpu.memory_space<semaphore_mem>>)
    %add3A_232 = arith.constant 1600 : i32
    %add3A_233 = arith.addi %mul3A_2, %add3A_232 : i32
    %dma_start3A_234 = arith.constant 0 : i32
    %dma_start3A_235 = tpu.memref_slice %arg2[%add3A_233, %dma_start3A_234] : memref<320000x128xf32, #tpu.memory_space<hbm>> -> memref<400x32xf32, #tpu.memory_space<hbm>>
    %dma_start3A_236 = arith.constant 0 : i32
    %dma_start3A_237 = tpu.memref_slice %arg2[%add3A_233, %dma_start3A_236] : memref<320000x128xf32, #tpu.memory_space<hbm>> -> memref<400x32xf32, #tpu.memory_space<hbm>>
    tpu.enqueue_dma source(%dma_start3A_237 : memref<400x32xf32, #tpu.memory_space<hbm>>) target(%arg9 : memref<400x32xf32, #tpu.memory_space<vmem>>) target_semaphore(%arg29 : memref<!tpu.dma_semaphore, #tpu.memory_space<semaphore_mem>>)
    %dma_start3A_238 = tpu.memref_slice %arg3[%add3A_233] : memref<320000xi32, #tpu.memory_space<hbm>> -> memref<400xi32, #tpu.memory_space<hbm>>
    %dma_start3A_239 = tpu.memref_slice %arg3[%add3A_233] : memref<320000xi32, #tpu.memory_space<hbm>> -> memref<400xi32, #tpu.memory_space<hbm>>
    tpu.enqueue_dma source(%dma_start3A_239 : memref<400xi32, #tpu.memory_space<hbm>>) target(%arg17 : memref<400xi32, #tpu.memory_space<vmem>>) target_semaphore(%arg29 : memref<!tpu.dma_semaphore, #tpu.memory_space<semaphore_mem>>)
    %add3A_240 = arith.constant 2000 : i32
    %add3A_241 = arith.addi %mul3A_2, %add3A_240 : i32
    %dma_start3A_242 = arith.constant 0 : i32
    %dma_start3A_243 = tpu.memref_slice %arg2[%add3A_241, %dma_start3A_242] : memref<320000x128xf32, #tpu.memory_space<hbm>> -> memref<400x32xf32, #tpu.memory_space<hbm>>
    %dma_start3A_244 = arith.constant 0 : i32
    %dma_start3A_245 = tpu.memref_slice %arg2[%add3A_241, %dma_start3A_244] : memref<320000x128xf32, #tpu.memory_space<hbm>> -> memref<400x32xf32, #tpu.memory_space<hbm>>
    tpu.enqueue_dma source(%dma_start3A_245 : memref<400x32xf32, #tpu.memory_space<hbm>>) target(%arg10 : memref<400x32xf32, #tpu.memory_space<vmem>>) target_semaphore(%arg30 : memref<!tpu.dma_semaphore, #tpu.memory_space<semaphore_mem>>)
    %dma_start3A_246 = tpu.memref_slice %arg3[%add3A_241] : memref<320000xi32, #tpu.memory_space<hbm>> -> memref<400xi32, #tpu.memory_space<hbm>>
    %dma_start3A_247 = tpu.memref_slice %arg3[%add3A_241] : memref<320000xi32, #tpu.memory_space<hbm>> -> memref<400xi32, #tpu.memory_space<hbm>>
    tpu.enqueue_dma source(%dma_start3A_247 : memref<400xi32, #tpu.memory_space<hbm>>) target(%arg18 : memref<400xi32, #tpu.memory_space<vmem>>) target_semaphore(%arg30 : memref<!tpu.dma_semaphore, #tpu.memory_space<semaphore_mem>>)
    %add3A_248 = arith.constant 2400 : i32
    %add3A_249 = arith.addi %mul3A_2, %add3A_248 : i32
    %dma_start3A_250 = arith.constant 0 : i32
    %dma_start3A_251 = tpu.memref_slice %arg2[%add3A_249, %dma_start3A_250] : memref<320000x128xf32, #tpu.memory_space<hbm>> -> memref<400x32xf32, #tpu.memory_space<hbm>>
    %dma_start3A_252 = arith.constant 0 : i32
    %dma_start3A_253 = tpu.memref_slice %arg2[%add3A_249, %dma_start3A_252] : memref<320000x128xf32, #tpu.memory_space<hbm>> -> memref<400x32xf32, #tpu.memory_space<hbm>>
    tpu.enqueue_dma source(%dma_start3A_253 : memref<400x32xf32, #tpu.memory_space<hbm>>) target(%arg11 : memref<400x32xf32, #tpu.memory_space<vmem>>) target_semaphore(%arg31 : memref<!tpu.dma_semaphore, #tpu.memory_space<semaphore_mem>>)
    %dma_start3A_254 = tpu.memref_slice %arg3[%add3A_249] : memref<320000xi32, #tpu.memory_space<hbm>> -> memref<400xi32, #tpu.memory_space<hbm>>
    %dma_start3A_255 = tpu.memref_slice %arg3[%add3A_249] : memref<320000xi32, #tpu.memory_space<hbm>> -> memref<400xi32, #tpu.memory_space<hbm>>
    tpu.enqueue_dma source(%dma_start3A_255 : memref<400xi32, #tpu.memory_space<hbm>>) target(%arg19 : memref<400xi32, #tpu.memory_space<vmem>>) target_semaphore(%arg31 : memref<!tpu.dma_semaphore, #tpu.memory_space<semaphore_mem>>)
    %add3A_256 = arith.constant 2800 : i32
    %add3A_257 = arith.addi %mul3A_2, %add3A_256 : i32
    %dma_start3A_258 = arith.constant 0 : i32
    %dma_start3A_259 = tpu.memref_slice %arg2[%add3A_257, %dma_start3A_258] : memref<320000x128xf32, #tpu.memory_space<hbm>> -> memref<400x32xf32, #tpu.memory_space<hbm>>
    %dma_start3A_260 = arith.constant 0 : i32
    %dma_start3A_261 = tpu.memref_slice %arg2[%add3A_257, %dma_start3A_260] : memref<320000x128xf32, #tpu.memory_space<hbm>> -> memref<400x32xf32, #tpu.memory_space<hbm>>
    tpu.enqueue_dma source(%dma_start3A_261 : memref<400x32xf32, #tpu.memory_space<hbm>>) target(%arg12 : memref<400x32xf32, #tpu.memory_space<vmem>>) target_semaphore(%arg32 : memref<!tpu.dma_semaphore, #tpu.memory_space<semaphore_mem>>)
    %dma_start3A_262 = tpu.memref_slice %arg3[%add3A_257] : memref<320000xi32, #tpu.memory_space<hbm>> -> memref<400xi32, #tpu.memory_space<hbm>>
    %dma_start3A_263 = tpu.memref_slice %arg3[%add3A_257] : memref<320000xi32, #tpu.memory_space<hbm>> -> memref<400xi32, #tpu.memory_space<hbm>>
    tpu.enqueue_dma source(%dma_start3A_263 : memref<400xi32, #tpu.memory_space<hbm>>) target(%arg20 : memref<400xi32, #tpu.memory_space<vmem>>) target_semaphore(%arg32 : memref<!tpu.dma_semaphore, #tpu.memory_space<semaphore_mem>>)
    %dma_wait3A = arith.constant 0 : i32
    %dma_wait3A_264 = tpu.memref_slice %arg2[%add3A_202, %dma_wait3A] : memref<320000x128xf32, #tpu.memory_space<hbm>> -> memref<400x32xf32, #tpu.memory_space<hbm>>
    %dma_wait3A_265 = arith.constant 0 : i32
    %dma_wait3A_266 = tpu.memref_slice %arg2[%add3A_202, %dma_wait3A_265] : memref<320000x128xf32, #tpu.memory_space<hbm>> -> memref<400x32xf32, #tpu.memory_space<hbm>>
    tpu.wait_dma2 semaphore(%arg25 : memref<!tpu.dma_semaphore, #tpu.memory_space<semaphore_mem>>) src(%dma_wait3A_266 : memref<400x32xf32, #tpu.memory_space<hbm>>) dst(%arg5 : memref<400x32xf32, #tpu.memory_space<vmem>>)
    %dma_wait3A_267 = tpu.memref_slice %arg3[%add3A_202] : memref<320000xi32, #tpu.memory_space<hbm>> -> memref<400xi32, #tpu.memory_space<hbm>>
    %dma_wait3A_268 = tpu.memref_slice %arg3[%add3A_202] : memref<320000xi32, #tpu.memory_space<hbm>> -> memref<400xi32, #tpu.memory_space<hbm>>
    tpu.wait_dma2 semaphore(%arg25 : memref<!tpu.dma_semaphore, #tpu.memory_space<semaphore_mem>>) src(%dma_wait3A_268 : memref<400xi32, #tpu.memory_space<hbm>>) dst(%arg13 : memref<400xi32, #tpu.memory_space<vmem>>)
    %get3A = arith.constant 0 : index
    %get3A_269 = tpu.vector_load %arg13[%get3A] {strides = array<i32>} : memref<400xi32, #tpu.memory_space<vmem>>, vector<16xi32>,
    %slice3A = vector.extract_strided_slice %get3A_269 {offsets = [0], sizes = [1], strides = [1]} : vector<16xi32> to vector<1xi32>
    %squeeze3A = vector.extract %slice3A[0] : i32 from vector<1xi32>
    %get3A_270 = arith.constant 384 : index
    %get3A_271 = tpu.vector_load %arg13[%get3A_270] {strides = array<i32>} : memref<400xi32, #tpu.memory_space<vmem>>, vector<16xi32>,
    %slice3A_272 = vector.extract_strided_slice %get3A_271 {offsets = [15], sizes = [1], strides = [1]} : vector<16xi32> to vector<1xi32>
    %squeeze3A_273 = vector.extract %slice3A_272[0] : i32 from vector<1xi32>
    %broadcast_in_dim3A_274 = vector.broadcast %squeeze3A : i32 to vector<16xi32>
    tpu.vector_store_idx %arg21[%iota3A, %broadcast_in_dim3A_274], %broadcast_in_dim3A_5 {add = true} : memref<16x16xf32, #tpu.memory_space<vmem>>[vector<16xi32>, vector<16xi32>], vector<16xf32>,
    %add3A_275 = arith.constant 3200 : i32
    %add3A_276 = arith.addi %mul3A_2, %add3A_275 : i32
    %dma_start3A_277 = arith.constant 0 : i32
    %dma_start3A_278 = tpu.memref_slice %arg2[%add3A_276, %dma_start3A_277] : memref<320000x128xf32, #tpu.memory_space<hbm>> -> memref<400x32xf32, #tpu.memory_space<hbm>>
    %dma_start3A_279 = arith.constant 0 : i32
    %dma_start3A_280 = tpu.memref_slice %arg2[%add3A_276, %dma_start3A_279] : memref<320000x128xf32, #tpu.memory_space<hbm>> -> memref<400x32xf32, #tpu.memory_space<hbm>>
    tpu.enqueue_dma source(%dma_start3A_280 : memref<400x32xf32, #tpu.memory_space<hbm>>) target(%arg5 : memref<400x32xf32, #tpu.memory_space<vmem>>) target_semaphore(%arg25 : memref<!tpu.dma_semaphore, #tpu.memory_space<semaphore_mem>>)
    %dma_start3A_281 = tpu.memref_slice %arg3[%add3A_276] : memref<320000xi32, #tpu.memory_space<hbm>> -> memref<400xi32, #tpu.memory_space<hbm>>
    %dma_start3A_282 = tpu.memref_slice %arg3[%add3A_276] : memref<320000xi32, #tpu.memory_space<hbm>> -> memref<400xi32, #tpu.memory_space<hbm>>
    tpu.enqueue_dma source(%dma_start3A_282 : memref<400xi32, #tpu.memory_space<hbm>>) target(%arg13 : memref<400xi32, #tpu.memory_space<vmem>>) target_semaphore(%arg25 : memref<!tpu.dma_semaphore, #tpu.memory_space<semaphore_mem>>)
    %dma_wait3A_283 = arith.constant 0 : i32
    %dma_wait3A_284 = tpu.memref_slice %arg2[%add3A_209, %dma_wait3A_283] : memref<320000x128xf32, #tpu.memory_space<hbm>> -> memref<400x32xf32, #tpu.memory_space<hbm>>
    %dma_wait3A_285 = arith.constant 0 : i32
    %dma_wait3A_286 = tpu.memref_slice %arg2[%add3A_209, %dma_wait3A_285] : memref<320000x128xf32, #tpu.memory_space<hbm>> -> memref<400x32xf32, #tpu.memory_space<hbm>>
    tpu.wait_dma2 semaphore(%arg26 : memref<!tpu.dma_semaphore, #tpu.memory_space<semaphore_mem>>) src(%dma_wait3A_286 : memref<400x32xf32, #tpu.memory_space<hbm>>) dst(%arg6 : memref<400x32xf32, #tpu.memory_space<vmem>>)
    %dma_wait3A_287 = tpu.memref_slice %arg3[%add3A_209] : memref<320000xi32, #tpu.memory_space<hbm>> -> memref<400xi32, #tpu.memory_space<hbm>>
    %dma_wait3A_288 = tpu.memref_slice %arg3[%add3A_209] : memref<320000xi32, #tpu.memory_space<hbm>> -> memref<400xi32, #tpu.memory_space<hbm>>
    tpu.wait_dma2 semaphore(%arg26 : memref<!tpu.dma_semaphore, #tpu.memory_space<semaphore_mem>>) src(%dma_wait3A_288 : memref<400xi32, #tpu.memory_space<hbm>>) dst(%arg14 : memref<400xi32, #tpu.memory_space<vmem>>)
    %get3A_289 = arith.constant 0 : index
    %get3A_290 = tpu.vector_load %arg14[%get3A_289] {strides = array<i32>} : memref<400xi32, #tpu.memory_space<vmem>>, vector<16xi32>,
    %slice3A_291 = vector.extract_strided_slice %get3A_290 {offsets = [0], sizes = [1], strides = [1]} : vector<16xi32> to vector<1xi32>
    %squeeze3A_292 = vector.extract %slice3A_291[0] : i32 from vector<1xi32>
    %get3A_293 = arith.constant 384 : index
    %get3A_294 = tpu.vector_load %arg14[%get3A_293] {strides = array<i32>} : memref<400xi32, #tpu.memory_space<vmem>>, vector<16xi32>,
    %slice3A_295 = vector.extract_strided_slice %get3A_294 {offsets = [15], sizes = [1], strides = [1]} : vector<16xi32> to vector<1xi32>
    %squeeze3A_296 = vector.extract %slice3A_295[0] : i32 from vector<1xi32>
    %broadcast_in_dim3A_297 = vector.broadcast %squeeze3A_292 : i32 to vector<16xi32>
    tpu.vector_store_idx %arg21[%iota3A, %broadcast_in_dim3A_297], %broadcast_in_dim3A_5 {add = true} : memref<16x16xf32, #tpu.memory_space<vmem>>[vector<16xi32>, vector<16xi32>], vector<16xf32>,
    %add3A_298 = arith.constant 3600 : i32
    %add3A_299 = arith.addi %mul3A_2, %add3A_298 : i32
    %dma_start3A_300 = arith.constant 0 : i32
    %dma_start3A_301 = tpu.memref_slice %arg2[%add3A_299, %dma_start3A_300] : memref<320000x128xf32, #tpu.memory_space<hbm>> -> memref<400x32xf32, #tpu.memory_space<hbm>>
    %dma_start3A_302 = arith.constant 0 : i32
    %dma_start3A_303 = tpu.memref_slice %arg2[%add3A_299, %dma_start3A_302] : memref<320000x128xf32, #tpu.memory_space<hbm>> -> memref<400x32xf32, #tpu.memory_space<hbm>>
    tpu.enqueue_dma source(%dma_start3A_303 : memref<400x32xf32, #tpu.memory_space<hbm>>) target(%arg6 : memref<400x32xf32, #tpu.memory_space<vmem>>) target_semaphore(%arg26 : memref<!tpu.dma_semaphore, #tpu.memory_space<semaphore_mem>>)
    %dma_start3A_304 = tpu.memref_slice %arg3[%add3A_299] : memref<320000xi32, #tpu.memory_space<hbm>> -> memref<400xi32, #tpu.memory_space<hbm>>
    %dma_start3A_305 = tpu.memref_slice %arg3[%add3A_299] : memref<320000xi32, #tpu.memory_space<hbm>> -> memref<400xi32, #tpu.memory_space<hbm>>
    tpu.enqueue_dma source(%dma_start3A_305 : memref<400xi32, #tpu.memory_space<hbm>>) target(%arg14 : memref<400xi32, #tpu.memory_space<vmem>>) target_semaphore(%arg26 : memref<!tpu.dma_semaphore, #tpu.memory_space<semaphore_mem>>)
    %dma_wait3A_306 = arith.constant 0 : i32
    %dma_wait3A_307 = tpu.memref_slice %arg2[%add3A_217, %dma_wait3A_306] : memref<320000x128xf32, #tpu.memory_space<hbm>> -> memref<400x32xf32, #tpu.memory_space<hbm>>
    %dma_wait3A_308 = arith.constant 0 : i32
    %dma_wait3A_309 = tpu.memref_slice %arg2[%add3A_217, %dma_wait3A_308] : memref<320000x128xf32, #tpu.memory_space<hbm>> -> memref<400x32xf32, #tpu.memory_space<hbm>>
    tpu.wait_dma2 semaphore(%arg27 : memref<!tpu.dma_semaphore, #tpu.memory_space<semaphore_mem>>) src(%dma_wait3A_309 : memref<400x32xf32, #tpu.memory_space<hbm>>) dst(%arg7 : memref<400x32xf32, #tpu.memory_space<vmem>>)
    %dma_wait3A_310 = tpu.memref_slice %arg3[%add3A_217] : memref<320000xi32, #tpu.memory_space<hbm>> -> memref<400xi32, #tpu.memory_space<hbm>>
    %dma_wait3A_311 = tpu.memref_slice %arg3[%add3A_217] : memref<320000xi32, #tpu.memory_space<hbm>> -> memref<400xi32, #tpu.memory_space<hbm>>
    tpu.wait_dma2 semaphore(%arg27 : memref<!tpu.dma_semaphore, #tpu.memory_space<semaphore_mem>>) src(%dma_wait3A_311 : memref<400xi32, #tpu.memory_space<hbm>>) dst(%arg15 : memref<400xi32, #tpu.memory_space<vmem>>)
    %get3A_312 = arith.constant 0 : index
    %get3A_313 = tpu.vector_load %arg15[%get3A_312] {strides = array<i32>} : memref<400xi32, #tpu.memory_space<vmem>>, vector<16xi32>,
    %slice3A_314 = vector.extract_strided_slice %get3A_313 {offsets = [0], sizes = [1], strides = [1]} : vector<16xi32> to vector<1xi32>
    %squeeze3A_315 = vector.extract %slice3A_314[0] : i32 from vector<1xi32>
    %get3A_316 = arith.constant 384 : index
    %get3A_317 = tpu.vector_load %arg15[%get3A_316] {strides = array<i32>} : memref<400xi32, #tpu.memory_space<vmem>>, vector<16xi32>,
    %slice3A_318 = vector.extract_strided_slice %get3A_317 {offsets = [15], sizes = [1], strides = [1]} : vector<16xi32> to vector<1xi32>
    %squeeze3A_319 = vector.extract %slice3A_318[0] : i32 from vector<1xi32>
    %broadcast_in_dim3A_320 = vector.broadcast %squeeze3A_315 : i32 to vector<16xi32>
    tpu.vector_store_idx %arg21[%iota3A, %broadcast_in_dim3A_320], %broadcast_in_dim3A_5 {add = true} : memref<16x16xf32, #tpu.memory_space<vmem>>[vector<16xi32>, vector<16xi32>], vector<16xf32>,
    %add3A_321 = arith.constant 4000 : i32
    %add3A_322 = arith.addi %mul3A_2, %add3A_321 : i32
    %dma_start3A_323 = arith.constant 0 : i32
    %dma_start3A_324 = tpu.memref_slice %arg2[%add3A_322, %dma_start3A_323] : memref<320000x128xf32, #tpu.memory_space<hbm>> -> memref<400x32xf32, #tpu.memory_space<hbm>>
    %dma_start3A_325 = arith.constant 0 : i32
    %dma_start3A_326 = tpu.memref_slice %arg2[%add3A_322, %dma_start3A_325] : memref<320000x128xf32, #tpu.memory_space<hbm>> -> memref<400x32xf32, #tpu.memory_space<hbm>>
    tpu.enqueue_dma source(%dma_start3A_326 : memref<400x32xf32, #tpu.memory_space<hbm>>) target(%arg7 : memref<400x32xf32, #tpu.memory_space<vmem>>) target_semaphore(%arg27 : memref<!tpu.dma_semaphore, #tpu.memory_space<semaphore_mem>>)
    %dma_start3A_327 = tpu.memref_slice %arg3[%add3A_322] : memref<320000xi32, #tpu.memory_space<hbm>> -> memref<400xi32, #tpu.memory_space<hbm>>
    %dma_start3A_328 = tpu.memref_slice %arg3[%add3A_322] : memref<320000xi32, #tpu.memory_space<hbm>> -> memref<400xi32, #tpu.memory_space<hbm>>
    tpu.enqueue_dma source(%dma_start3A_328 : memref<400xi32, #tpu.memory_space<hbm>>) target(%arg15 : memref<400xi32, #tpu.memory_space<vmem>>) target_semaphore(%arg27 : memref<!tpu.dma_semaphore, #tpu.memory_space<semaphore_mem>>)
    %dma_wait3A_329 = arith.constant 0 : i32
    %dma_wait3A_330 = tpu.memref_slice %arg2[%add3A_225, %dma_wait3A_329] : memref<320000x128xf32, #tpu.memory_space<hbm>> -> memref<400x32xf32, #tpu.memory_space<hbm>>
    %dma_wait3A_331 = arith.constant 0 : i32
    %dma_wait3A_332 = tpu.memref_slice %arg2[%add3A_225, %dma_wait3A_331] : memref<320000x128xf32, #tpu.memory_space<hbm>> -> memref<400x32xf32, #tpu.memory_space<hbm>>
    tpu.wait_dma2 semaphore(%arg28 : memref<!tpu.dma_semaphore, #tpu.memory_space<semaphore_mem>>) src(%dma_wait3A_332 : memref<400x32xf32, #tpu.memory_space<hbm>>) dst(%arg8 : memref<400x32xf32, #tpu.memory_space<vmem>>)
    %dma_wait3A_333 = tpu.memref_slice %arg3[%add3A_225] : memref<320000xi32, #tpu.memory_space<hbm>> -> memref<400xi32, #tpu.memory_space<hbm>>
    %dma_wait3A_334 = tpu.memref_slice %arg3[%add3A_225] : memref<320000xi32, #tpu.memory_space<hbm>> -> memref<400xi32, #tpu.memory_space<hbm>>
    tpu.wait_dma2 semaphore(%arg28 : memref<!tpu.dma_semaphore, #tpu.memory_space<semaphore_mem>>) src(%dma_wait3A_334 : memref<400xi32, #tpu.memory_space<hbm>>) dst(%arg16 : memref<400xi32, #tpu.memory_space<vmem>>)
    %get3A_335 = arith.constant 0 : index
    %get3A_336 = tpu.vector_load %arg16[%get3A_335] {strides = array<i32>} : memref<400xi32, #tpu.memory_space<vmem>>, vector<16xi32>,
    %slice3A_337 = vector.extract_strided_slice %get3A_336 {offsets = [0], sizes = [1], strides = [1]} : vector<16xi32> to vector<1xi32>
    %squeeze3A_338 = vector.extract %slice3A_337[0] : i32 from vector<1xi32>
    %get3A_339 = arith.constant 384 : index
    %get3A_340 = tpu.vector_load %arg16[%get3A_339] {strides = array<i32>} : memref<400xi32, #tpu.memory_space<vmem>>, vector<16xi32>,
    %slice3A_341 = vector.extract_strided_slice %get3A_340 {offsets = [15], sizes = [1], strides = [1]} : vector<16xi32> to vector<1xi32>
    %squeeze3A_342 = vector.extract %slice3A_341[0] : i32 from vector<1xi32>
    %broadcast_in_dim3A_343 = vector.broadcast %squeeze3A_338 : i32 to vector<16xi32>
    tpu.vector_store_idx %arg21[%iota3A, %broadcast_in_dim3A_343], %broadcast_in_dim3A_5 {add = true} : memref<16x16xf32, #tpu.memory_space<vmem>>[vector<16xi32>, vector<16xi32>], vector<16xf32>,
    %add3A_344 = arith.constant 4400 : i32
    %add3A_345 = arith.addi %mul3A_2, %add3A_344 : i32
    %dma_start3A_346 = arith.constant 0 : i32
    %dma_start3A_347 = tpu.memref_slice %arg2[%add3A_345, %dma_start3A_346] : memref<320000x128xf32, #tpu.memory_space<hbm>> -> memref<400x32xf32, #tpu.memory_space<hbm>>
    %dma_start3A_348 = arith.constant 0 : i32
    %dma_start3A_349 = tpu.memref_slice %arg2[%add3A_345, %dma_start3A_348] : memref<320000x128xf32, #tpu.memory_space<hbm>> -> memref<400x32xf32, #tpu.memory_space<hbm>>
    tpu.enqueue_dma source(%dma_start3A_349 : memref<400x32xf32, #tpu.memory_space<hbm>>) target(%arg8 : memref<400x32xf32, #tpu.memory_space<vmem>>) target_semaphore(%arg28 : memref<!tpu.dma_semaphore, #tpu.memory_space<semaphore_mem>>)
    %dma_start3A_350 = tpu.memref_slice %arg3[%add3A_345] : memref<320000xi32, #tpu.memory_space<hbm>> -> memref<400xi32, #tpu.memory_space<hbm>>
    %dma_start3A_351 = tpu.memref_slice %arg3[%add3A_345] : memref<320000xi32, #tpu.memory_space<hbm>> -> memref<400xi32, #tpu.memory_space<hbm>>
    tpu.enqueue_dma source(%dma_start3A_351 : memref<400xi32, #tpu.memory_space<hbm>>) target(%arg16 : memref<400xi32, #tpu.memory_space<vmem>>) target_semaphore(%arg28 : memref<!tpu.dma_semaphore, #tpu.memory_space<semaphore_mem>>)
    %dma_wait3A_352 = arith.constant 0 : i32
    %dma_wait3A_353 = tpu.memref_slice %arg2[%add3A_233, %dma_wait3A_352] : memref<320000x128xf32, #tpu.memory_space<hbm>> -> memref<400x32xf32, #tpu.memory_space<hbm>>
    %dma_wait3A_354 = arith.constant 0 : i32
    %dma_wait3A_355 = tpu.memref_slice %arg2[%add3A_233, %dma_wait3A_354] : memref<320000x128xf32, #tpu.memory_space<hbm>> -> memref<400x32xf32, #tpu.memory_space<hbm>>
    tpu.wait_dma2 semaphore(%arg29 : memref<!tpu.dma_semaphore, #tpu.memory_space<semaphore_mem>>) src(%dma_wait3A_355 : memref<400x32xf32, #tpu.memory_space<hbm>>) dst(%arg9 : memref<400x32xf32, #tpu.memory_space<vmem>>)
    %dma_wait3A_356 = tpu.memref_slice %arg3[%add3A_233] : memref<320000xi32, #tpu.memory_space<hbm>> -> memref<400xi32, #tpu.memory_space<hbm>>
    %dma_wait3A_357 = tpu.memref_slice %arg3[%add3A_233] : memref<320000xi32, #tpu.memory_space<hbm>> -> memref<400xi32, #tpu.memory_space<hbm>>
    tpu.wait_dma2 semaphore(%arg29 : memref<!tpu.dma_semaphore, #tpu.memory_space<semaphore_mem>>) src(%dma_wait3A_357 : memref<400xi32, #tpu.memory_space<hbm>>) dst(%arg17 : memref<400xi32, #tpu.memory_space<vmem>>)
    %get3A_358 = arith.constant 0 : index
    %get3A_359 = tpu.vector_load %arg17[%get3A_358] {strides = array<i32>} : memref<400xi32, #tpu.memory_space<vmem>>, vector<16xi32>,
    %slice3A_360 = vector.extract_strided_slice %get3A_359 {offsets = [0], sizes = [1], strides = [1]} : vector<16xi32> to vector<1xi32>
    %squeeze3A_361 = vector.extract %slice3A_360[0] : i32 from vector<1xi32>
    %get3A_362 = arith.constant 384 : index
    %get3A_363 = tpu.vector_load %arg17[%get3A_362] {strides = array<i32>} : memref<400xi32, #tpu.memory_space<vmem>>, vector<16xi32>,
    %slice3A_364 = vector.extract_strided_slice %get3A_363 {offsets = [15], sizes = [1], strides = [1]} : vector<16xi32> to vector<1xi32>
    %squeeze3A_365 = vector.extract %slice3A_364[0] : i32 from vector<1xi32>
    %broadcast_in_dim3A_366 = vector.broadcast %squeeze3A_361 : i32 to vector<16xi32>
    tpu.vector_store_idx %arg21[%iota3A, %broadcast_in_dim3A_366], %broadcast_in_dim3A_5 {add = true} : memref<16x16xf32, #tpu.memory_space<vmem>>[vector<16xi32>, vector<16xi32>], vector<16xf32>,
    %add3A_367 = arith.constant 4800 : i32
    %add3A_368 = arith.addi %mul3A_2, %add3A_367 : i32
    %dma_start3A_369 = arith.constant 0 : i32
    %dma_start3A_370 = tpu.memref_slice %arg2[%add3A_368, %dma_start3A_369] : memref<320000x128xf32, #tpu.memory_space<hbm>> -> memref<400x32xf32, #tpu.memory_space<hbm>>
    %dma_start3A_371 = arith.constant 0 : i32
    %dma_start3A_372 = tpu.memref_slice %arg2[%add3A_368, %dma_start3A_371] : memref<320000x128xf32, #tpu.memory_space<hbm>> -> memref<400x32xf32, #tpu.memory_space<hbm>>
    tpu.enqueue_dma source(%dma_start3A_372 : memref<400x32xf32, #tpu.memory_space<hbm>>) target(%arg9 : memref<400x32xf32, #tpu.memory_space<vmem>>) target_semaphore(%arg29 : memref<!tpu.dma_semaphore, #tpu.memory_space<semaphore_mem>>)
    %dma_start3A_373 = tpu.memref_slice %arg3[%add3A_368] : memref<320000xi32, #tpu.memory_space<hbm>> -> memref<400xi32, #tpu.memory_space<hbm>>
    %dma_start3A_374 = tpu.memref_slice %arg3[%add3A_368] : memref<320000xi32, #tpu.memory_space<hbm>> -> memref<400xi32, #tpu.memory_space<hbm>>
    tpu.enqueue_dma source(%dma_start3A_374 : memref<400xi32, #tpu.memory_space<hbm>>) target(%arg17 : memref<400xi32, #tpu.memory_space<vmem>>) target_semaphore(%arg29 : memref<!tpu.dma_semaphore, #tpu.memory_space<semaphore_mem>>)
    %dma_wait3A_375 = arith.constant 0 : i32
    %dma_wait3A_376 = tpu.memref_slice %arg2[%add3A_241, %dma_wait3A_375] : memref<320000x128xf32, #tpu.memory_space<hbm>> -> memref<400x32xf32, #tpu.memory_space<hbm>>
    %dma_wait3A_377 = arith.constant 0 : i32
    %dma_wait3A_378 = tpu.memref_slice %arg2[%add3A_241, %dma_wait3A_377] : memref<320000x128xf32, #tpu.memory_space<hbm>> -> memref<400x32xf32, #tpu.memory_space<hbm>>
    tpu.wait_dma2 semaphore(%arg30 : memref<!tpu.dma_semaphore, #tpu.memory_space<semaphore_mem>>) src(%dma_wait3A_378 : memref<400x32xf32, #tpu.memory_space<hbm>>) dst(%arg10 : memref<400x32xf32, #tpu.memory_space<vmem>>)
    %dma_wait3A_379 = tpu.memref_slice %arg3[%add3A_241] : memref<320000xi32, #tpu.memory_space<hbm>> -> memref<400xi32, #tpu.memory_space<hbm>>
    %dma_wait3A_380 = tpu.memref_slice %arg3[%add3A_241] : memref<320000xi32, #tpu.memory_space<hbm>> -> memref<400xi32, #tpu.memory_space<hbm>>
    tpu.wait_dma2 semaphore(%arg30 : memref<!tpu.dma_semaphore, #tpu.memory_space<semaphore_mem>>) src(%dma_wait3A_380 : memref<400xi32, #tpu.memory_space<hbm>>) dst(%arg18 : memref<400xi32, #tpu.memory_space<vmem>>)
    %get3A_381 = arith.constant 0 : index
    %get3A_382 = tpu.vector_load %arg18[%get3A_381] {strides = array<i32>} : memref<400xi32, #tpu.memory_space<vmem>>, vector<16xi32>,
    %slice3A_383 = vector.extract_strided_slice %get3A_382 {offsets = [0], sizes = [1], strides = [1]} : vector<16xi32> to vector<1xi32>
    %squeeze3A_384 = vector.extract %slice3A_383[0] : i32 from vector<1xi32>
    %get3A_385 = arith.constant 384 : index
    %get3A_386 = tpu.vector_load %arg18[%get3A_385] {strides = array<i32>} : memref<400xi32, #tpu.memory_space<vmem>>, vector<16xi32>,
    %slice3A_387 = vector.extract_strided_slice %get3A_386 {offsets = [15], sizes = [1], strides = [1]} : vector<16xi32> to vector<1xi32>
    %squeeze3A_388 = vector.extract %slice3A_387[0] : i32 from vector<1xi32>
    %broadcast_in_dim3A_389 = vector.broadcast %squeeze3A_384 : i32 to vector<16xi32>
    tpu.vector_store_idx %arg21[%iota3A, %broadcast_in_dim3A_389], %broadcast_in_dim3A_5 {add = true} : memref<16x16xf32, #tpu.memory_space<vmem>>[vector<16xi32>, vector<16xi32>], vector<16xf32>,
    %add3A_390 = arith.constant 5200 : i32
    %add3A_391 = arith.addi %mul3A_2, %add3A_390 : i32
    %dma_start3A_392 = arith.constant 0 : i32
    %dma_start3A_393 = tpu.memref_slice %arg2[%add3A_391, %dma_start3A_392] : memref<320000x128xf32, #tpu.memory_space<hbm>> -> memref<400x32xf32, #tpu.memory_space<hbm>>
    %dma_start3A_394 = arith.constant 0 : i32
    %dma_start3A_395 = tpu.memref_slice %arg2[%add3A_391, %dma_start3A_394] : memref<320000x128xf32, #tpu.memory_space<hbm>> -> memref<400x32xf32, #tpu.memory_space<hbm>>
    tpu.enqueue_dma source(%dma_start3A_395 : memref<400x32xf32, #tpu.memory_space<hbm>>) target(%arg10 : memref<400x32xf32, #tpu.memory_space<vmem>>) target_semaphore(%arg30 : memref<!tpu.dma_semaphore, #tpu.memory_space<semaphore_mem>>)
    %dma_start3A_396 = tpu.memref_slice %arg3[%add3A_391] : memref<320000xi32, #tpu.memory_space<hbm>> -> memref<400xi32, #tpu.memory_space<hbm>>
    %dma_start3A_397 = tpu.memref_slice %arg3[%add3A_391] : memref<320000xi32, #tpu.memory_space<hbm>> -> memref<400xi32, #tpu.memory_space<hbm>>
    tpu.enqueue_dma source(%dma_start3A_397 : memref<400xi32, #tpu.memory_space<hbm>>) target(%arg18 : memref<400xi32, #tpu.memory_space<vmem>>) target_semaphore(%arg30 : memref<!tpu.dma_semaphore, #tpu.memory_space<semaphore_mem>>)
    %dma_wait3A_398 = arith.constant 0 : i32
    %dma_wait3A_399 = tpu.memref_slice %arg2[%add3A_249, %dma_wait3A_398] : memref<320000x128xf32, #tpu.memory_space<hbm>> -> memref<400x32xf32, #tpu.memory_space<hbm>>
    %dma_wait3A_400 = arith.constant 0 : i32
    %dma_wait3A_401 = tpu.memref_slice %arg2[%add3A_249, %dma_wait3A_400] : memref<320000x128xf32, #tpu.memory_space<hbm>> -> memref<400x32xf32, #tpu.memory_space<hbm>>
    tpu.wait_dma2 semaphore(%arg31 : memref<!tpu.dma_semaphore, #tpu.memory_space<semaphore_mem>>) src(%dma_wait3A_401 : memref<400x32xf32, #tpu.memory_space<hbm>>) dst(%arg11 : memref<400x32xf32, #tpu.memory_space<vmem>>)
    %dma_wait3A_402 = tpu.memref_slice %arg3[%add3A_249] : memref<320000xi32, #tpu.memory_space<hbm>> -> memref<400xi32, #tpu.memory_space<hbm>>
    %dma_wait3A_403 = tpu.memref_slice %arg3[%add3A_249] : memref<320000xi32, #tpu.memory_space<hbm>> -> memref<400xi32, #tpu.memory_space<hbm>>
    tpu.wait_dma2 semaphore(%arg31 : memref<!tpu.dma_semaphore, #tpu.memory_space<semaphore_mem>>) src(%dma_wait3A_403 : memref<400xi32, #tpu.memory_space<hbm>>) dst(%arg19 : memref<400xi32, #tpu.memory_space<vmem>>)
    %get3A_404 = arith.constant 0 : index
    %get3A_405 = tpu.vector_load %arg19[%get3A_404] {strides = array<i32>} : memref<400xi32, #tpu.memory_space<vmem>>, vector<16xi32>,
    %slice3A_406 = vector.extract_strided_slice %get3A_405 {offsets = [0], sizes = [1], strides = [1]} : vector<16xi32> to vector<1xi32>
    %squeeze3A_407 = vector.extract %slice3A_406[0] : i32 from vector<1xi32>
    %get3A_408 = arith.constant 384 : index
    %get3A_409 = tpu.vector_load %arg19[%get3A_408] {strides = array<i32>} : memref<400xi32, #tpu.memory_space<vmem>>, vector<16xi32>,
    %slice3A_410 = vector.extract_strided_slice %get3A_409 {offsets = [15], sizes = [1], strides = [1]} : vector<16xi32> to vector<1xi32>
    %squeeze3A_411 = vector.extract %slice3A_410[0] : i32 from vector<1xi32>
    %broadcast_in_dim3A_412 = vector.broadcast %squeeze3A_407 : i32 to vector<16xi32>
    tpu.vector_store_idx %arg21[%iota3A, %broadcast_in_dim3A_412], %broadcast_in_dim3A_5 {add = true} : memref<16x16xf32, #tpu.memory_space<vmem>>[vector<16xi32>, vector<16xi32>], vector<16xf32>,
    %add3A_413 = arith.constant 5600 : i32
    %add3A_414 = arith.addi %mul3A_2, %add3A_413 : i32
    %dma_start3A_415 = arith.constant 0 : i32
    %dma_start3A_416 = tpu.memref_slice %arg2[%add3A_414, %dma_start3A_415] : memref<320000x128xf32, #tpu.memory_space<hbm>> -> memref<400x32xf32, #tpu.memory_space<hbm>>
    %dma_start3A_417 = arith.constant 0 : i32
    %dma_start3A_418 = tpu.memref_slice %arg2[%add3A_414, %dma_start3A_417] : memref<320000x128xf32, #tpu.memory_space<hbm>> -> memref<400x32xf32, #tpu.memory_space<hbm>>
    tpu.enqueue_dma source(%dma_start3A_418 : memref<400x32xf32, #tpu.memory_space<hbm>>) target(%arg11 : memref<400x32xf32, #tpu.memory_space<vmem>>) target_semaphore(%arg31 : memref<!tpu.dma_semaphore, #tpu.memory_space<semaphore_mem>>)
    %dma_start3A_419 = tpu.memref_slice %arg3[%add3A_414] : memref<320000xi32, #tpu.memory_space<hbm>> -> memref<400xi32, #tpu.memory_space<hbm>>
    %dma_start3A_420 = tpu.memref_slice %arg3[%add3A_414] : memref<320000xi32, #tpu.memory_space<hbm>> -> memref<400xi32, #tpu.memory_space<hbm>>
    tpu.enqueue_dma source(%dma_start3A_420 : memref<400xi32, #tpu.memory_space<hbm>>) target(%arg19 : memref<400xi32, #tpu.memory_space<vmem>>) target_semaphore(%arg31 : memref<!tpu.dma_semaphore, #tpu.memory_space<semaphore_mem>>)
    %dma_wait3A_421 = arith.constant 0 : i32
    %dma_wait3A_422 = tpu.memref_slice %arg2[%add3A_257, %dma_wait3A_421] : memref<320000x128xf32, #tpu.memory_space<hbm>> -> memref<400x32xf32, #tpu.memory_space<hbm>>
    %dma_wait3A_423 = arith.constant 0 : i32
    %dma_wait3A_424 = tpu.memref_slice %arg2[%add3A_257, %dma_wait3A_423] : memref<320000x128xf32, #tpu.memory_space<hbm>> -> memref<400x32xf32, #tpu.memory_space<hbm>>
    tpu.wait_dma2 semaphore(%arg32 : memref<!tpu.dma_semaphore, #tpu.memory_space<semaphore_mem>>) src(%dma_wait3A_424 : memref<400x32xf32, #tpu.memory_space<hbm>>) dst(%arg12 : memref<400x32xf32, #tpu.memory_space<vmem>>)
    %dma_wait3A_425 = tpu.memref_slice %arg3[%add3A_257] : memref<320000xi32, #tpu.memory_space<hbm>> -> memref<400xi32, #tpu.memory_space<hbm>>
    %dma_wait3A_426 = tpu.memref_slice %arg3[%add3A_257] : memref<320000xi32, #tpu.memory_space<hbm>> -> memref<400xi32, #tpu.memory_space<hbm>>
    tpu.wait_dma2 semaphore(%arg32 : memref<!tpu.dma_semaphore, #tpu.memory_space<semaphore_mem>>) src(%dma_wait3A_426 : memref<400xi32, #tpu.memory_space<hbm>>) dst(%arg20 : memref<400xi32, #tpu.memory_space<vmem>>)
    %get3A_427 = arith.constant 0 : index
    %get3A_428 = tpu.vector_load %arg20[%get3A_427] {strides = array<i32>} : memref<400xi32, #tpu.memory_space<vmem>>, vector<16xi32>,
    %slice3A_429 = vector.extract_strided_slice %get3A_428 {offsets = [0], sizes = [1], strides = [1]} : vector<16xi32> to vector<1xi32>
    %squeeze3A_430 = vector.extract %slice3A_429[0] : i32 from vector<1xi32>
    %get3A_431 = arith.constant 384 : index
    %get3A_432 = tpu.vector_load %arg20[%get3A_431] {strides = array<i32>} : memref<400xi32, #tpu.memory_space<vmem>>, vector<16xi32>,
    %slice3A_433 = vector.extract_strided_slice %get3A_432 {offsets = [15], sizes = [1], strides = [1]} : vector<16xi32> to vector<1xi32>
    %squeeze3A_434 = vector.extract %slice3A_433[0] : i32 from vector<1xi32>
    %broadcast_in_dim3A_435 = vector.broadcast %squeeze3A_430 : i32 to vector<16xi32>
    tpu.vector_store_idx %arg21[%iota3A, %broadcast_in_dim3A_435], %broadcast_in_dim3A_5 {add = true} : memref<16x16xf32, #tpu.memory_space<vmem>>[vector<16xi32>, vector<16xi32>], vector<16xf32>,
    %add3A_436 = arith.constant 6000 : i32
    %add3A_437 = arith.addi %mul3A_2, %add3A_436 : i32
    %dma_start3A_438 = arith.constant 0 : i32
    %dma_start3A_439 = tpu.memref_slice %arg2[%add3A_437, %dma_start3A_438] : memref<320000x128xf32, #tpu.memory_space<hbm>> -> memref<400x32xf32, #tpu.memory_space<hbm>>
    %dma_start3A_440 = arith.constant 0 : i32
    %dma_start3A_441 = tpu.memref_slice %arg2[%add3A_437, %dma_start3A_440] : memref<320000x128xf32, #tpu.memory_space<hbm>> -> memref<400x32xf32, #tpu.memory_space<hbm>>
    tpu.enqueue_dma source(%dma_start3A_441 : memref<400x32xf32, #tpu.memory_space<hbm>>) target(%arg12 : memref<400x32xf32, #tpu.memory_space<vmem>>) target_semaphore(%arg32 : memref<!tpu.dma_semaphore, #tpu.memory_space<semaphore_mem>>)
    %dma_start3A_442 = tpu.memref_slice %arg3[%add3A_437] : memref<320000xi32, #tpu.memory_space<hbm>> -> memref<400xi32, #tpu.memory_space<hbm>>
    %dma_start3A_443 = tpu.memref_slice %arg3[%add3A_437] : memref<320000xi32, #tpu.memory_space<hbm>> -> memref<400xi32, #tpu.memory_space<hbm>>
    tpu.enqueue_dma source(%dma_start3A_443 : memref<400xi32, #tpu.memory_space<hbm>>) target(%arg20 : memref<400xi32, #tpu.memory_space<vmem>>) target_semaphore(%arg32 : memref<!tpu.dma_semaphore, #tpu.memory_space<semaphore_mem>>)
    %dma_wait3A_444 = arith.constant 0 : i32
    %dma_wait3A_445 = tpu.memref_slice %arg2[%add3A_276, %dma_wait3A_444] : memref<320000x128xf32, #tpu.memory_space<hbm>> -> memref<400x32xf32, #tpu.memory_space<hbm>>
    %dma_wait3A_446 = arith.constant 0 : i32
    %dma_wait3A_447 = tpu.memref_slice %arg2[%add3A_276, %dma_wait3A_446] : memref<320000x128xf32, #tpu.memory_space<hbm>> -> memref<400x32xf32, #tpu.memory_space<hbm>>
    tpu.wait_dma2 semaphore(%arg25 : memref<!tpu.dma_semaphore, #tpu.memory_space<semaphore_mem>>) src(%dma_wait3A_447 : memref<400x32xf32, #tpu.memory_space<hbm>>) dst(%arg5 : memref<400x32xf32, #tpu.memory_space<vmem>>)
    %dma_wait3A_448 = tpu.memref_slice %arg3[%add3A_276] : memref<320000xi32, #tpu.memory_space<hbm>> -> memref<400xi32, #tpu.memory_space<hbm>>
    %dma_wait3A_449 = tpu.memref_slice %arg3[%add3A_276] : memref<320000xi32, #tpu.memory_space<hbm>> -> memref<400xi32, #tpu.memory_space<hbm>>
    tpu.wait_dma2 semaphore(%arg25 : memref<!tpu.dma_semaphore, #tpu.memory_space<semaphore_mem>>) src(%dma_wait3A_449 : memref<400xi32, #tpu.memory_space<hbm>>) dst(%arg13 : memref<400xi32, #tpu.memory_space<vmem>>)
    %get3A_450 = arith.constant 0 : index
    %get3A_451 = tpu.vector_load %arg13[%get3A_450] {strides = array<i32>} : memref<400xi32, #tpu.memory_space<vmem>>, vector<16xi32>,
    %slice3A_452 = vector.extract_strided_slice %get3A_451 {offsets = [0], sizes = [1], strides = [1]} : vector<16xi32> to vector<1xi32>
    %squeeze3A_453 = vector.extract %slice3A_452[0] : i32 from vector<1xi32>
    %get3A_454 = arith.constant 384 : index
    %get3A_455 = tpu.vector_load %arg13[%get3A_454] {strides = array<i32>} : memref<400xi32, #tpu.memory_space<vmem>>, vector<16xi32>,
    %slice3A_456 = vector.extract_strided_slice %get3A_455 {offsets = [15], sizes = [1], strides = [1]} : vector<16xi32> to vector<1xi32>
    %squeeze3A_457 = vector.extract %slice3A_456[0] : i32 from vector<1xi32>
    %broadcast_in_dim3A_458 = vector.broadcast %squeeze3A_453 : i32 to vector<16xi32>
    tpu.vector_store_idx %arg21[%iota3A, %broadcast_in_dim3A_458], %broadcast_in_dim3A_5 {add = true} : memref<16x16xf32, #tpu.memory_space<vmem>>[vector<16xi32>, vector<16xi32>], vector<16xf32>,
    %add3A_459 = arith.constant 6400 : i32
    %add3A_460 = arith.addi %mul3A_2, %add3A_459 : i32
    %dma_start3A_461 = arith.constant 0 : i32
    %dma_start3A_462 = tpu.memref_slice %arg2[%add3A_460, %dma_start3A_461] : memref<320000x128xf32, #tpu.memory_space<hbm>> -> memref<400x32xf32, #tpu.memory_space<hbm>>
    %dma_start3A_463 = arith.constant 0 : i32
    %dma_start3A_464 = tpu.memref_slice %arg2[%add3A_460, %dma_start3A_463] : memref<320000x128xf32, #tpu.memory_space<hbm>> -> memref<400x32xf32, #tpu.memory_space<hbm>>
    tpu.enqueue_dma source(%dma_start3A_464 : memref<400x32xf32, #tpu.memory_space<hbm>>) target(%arg5 : memref<400x32xf32, #tpu.memory_space<vmem>>) target_semaphore(%arg25 : memref<!tpu.dma_semaphore, #tpu.memory_space<semaphore_mem>>)
    %dma_start3A_465 = tpu.memref_slice %arg3[%add3A_460] : memref<320000xi32, #tpu.memory_space<hbm>> -> memref<400xi32, #tpu.memory_space<hbm>>
    %dma_start3A_466 = tpu.memref_slice %arg3[%add3A_460] : memref<320000xi32, #tpu.memory_space<hbm>> -> memref<400xi32, #tpu.memory_space<hbm>>
    tpu.enqueue_dma source(%dma_start3A_466 : memref<400xi32, #tpu.memory_space<hbm>>) target(%arg13 : memref<400xi32, #tpu.memory_space<vmem>>) target_semaphore(%arg25 : memref<!tpu.dma_semaphore, #tpu.memory_space<semaphore_mem>>)
    %dma_wait3A_467 = arith.constant 0 : i32
    %dma_wait3A_468 = tpu.memref_slice %arg2[%add3A_299, %dma_wait3A_467] : memref<320000x128xf32, #tpu.memory_space<hbm>> -> memref<400x32xf32, #tpu.memory_space<hbm>>
    %dma_wait3A_469 = arith.constant 0 : i32
    %dma_wait3A_470 = tpu.memref_slice %arg2[%add3A_299, %dma_wait3A_469] : memref<320000x128xf32, #tpu.memory_space<hbm>> -> memref<400x32xf32, #tpu.memory_space<hbm>>
    tpu.wait_dma2 semaphore(%arg26 : memref<!tpu.dma_semaphore, #tpu.memory_space<semaphore_mem>>) src(%dma_wait3A_470 : memref<400x32xf32, #tpu.memory_space<hbm>>) dst(%arg6 : memref<400x32xf32, #tpu.memory_space<vmem>>)
    %dma_wait3A_471 = tpu.memref_slice %arg3[%add3A_299] : memref<320000xi32, #tpu.memory_space<hbm>> -> memref<400xi32, #tpu.memory_space<hbm>>
    %dma_wait3A_472 = tpu.memref_slice %arg3[%add3A_299] : memref<320000xi32, #tpu.memory_space<hbm>> -> memref<400xi32, #tpu.memory_space<hbm>>
    tpu.wait_dma2 semaphore(%arg26 : memref<!tpu.dma_semaphore, #tpu.memory_space<semaphore_mem>>) src(%dma_wait3A_472 : memref<400xi32, #tpu.memory_space<hbm>>) dst(%arg14 : memref<400xi32, #tpu.memory_space<vmem>>)
    %get3A_473 = arith.constant 0 : index
    %get3A_474 = tpu.vector_load %arg14[%get3A_473] {strides = array<i32>} : memref<400xi32, #tpu.memory_space<vmem>>, vector<16xi32>,
    %slice3A_475 = vector.extract_strided_slice %get3A_474 {offsets = [0], sizes = [1], strides = [1]} : vector<16xi32> to vector<1xi32>
    %squeeze3A_476 = vector.extract %slice3A_475[0] : i32 from vector<1xi32>
    %get3A_477 = arith.constant 384 : index
    %get3A_478 = tpu.vector_load %arg14[%get3A_477] {strides = array<i32>} : memref<400xi32, #tpu.memory_space<vmem>>, vector<16xi32>,
    %slice3A_479 = vector.extract_strided_slice %get3A_478 {offsets = [15], sizes = [1], strides = [1]} : vector<16xi32> to vector<1xi32>
    %squeeze3A_480 = vector.extract %slice3A_479[0] : i32 from vector<1xi32>
    %broadcast_in_dim3A_481 = vector.broadcast %squeeze3A_476 : i32 to vector<16xi32>
    tpu.vector_store_idx %arg21[%iota3A, %broadcast_in_dim3A_481], %broadcast_in_dim3A_5 {add = true} : memref<16x16xf32, #tpu.memory_space<vmem>>[vector<16xi32>, vector<16xi32>], vector<16xf32>,
    %add3A_482 = arith.constant 6800 : i32
    %add3A_483 = arith.addi %mul3A_2, %add3A_482 : i32
    %dma_start3A_484 = arith.constant 0 : i32
    %dma_start3A_485 = tpu.memref_slice %arg2[%add3A_483, %dma_start3A_484] : memref<320000x128xf32, #tpu.memory_space<hbm>> -> memref<400x32xf32, #tpu.memory_space<hbm>>
    %dma_start3A_486 = arith.constant 0 : i32
    %dma_start3A_487 = tpu.memref_slice %arg2[%add3A_483, %dma_start3A_486] : memref<320000x128xf32, #tpu.memory_space<hbm>> -> memref<400x32xf32, #tpu.memory_space<hbm>>
    tpu.enqueue_dma source(%dma_start3A_487 : memref<400x32xf32, #tpu.memory_space<hbm>>) target(%arg6 : memref<400x32xf32, #tpu.memory_space<vmem>>) target_semaphore(%arg26 : memref<!tpu.dma_semaphore, #tpu.memory_space<semaphore_mem>>)
    %dma_start3A_488 = tpu.memref_slice %arg3[%add3A_483] : memref<320000xi32, #tpu.memory_space<hbm>> -> memref<400xi32, #tpu.memory_space<hbm>>
    %dma_start3A_489 = tpu.memref_slice %arg3[%add3A_483] : memref<320000xi32, #tpu.memory_space<hbm>> -> memref<400xi32, #tpu.memory_space<hbm>>
    tpu.enqueue_dma source(%dma_start3A_489 : memref<400xi32, #tpu.memory_space<hbm>>) target(%arg14 : memref<400xi32, #tpu.memory_space<vmem>>) target_semaphore(%arg26 : memref<!tpu.dma_semaphore, #tpu.memory_space<semaphore_mem>>)
    %dma_wait3A_490 = arith.constant 0 : i32
    %dma_wait3A_491 = tpu.memref_slice %arg2[%add3A_322, %dma_wait3A_490] : memref<320000x128xf32, #tpu.memory_space<hbm>> -> memref<400x32xf32, #tpu.memory_space<hbm>>
    %dma_wait3A_492 = arith.constant 0 : i32
    %dma_wait3A_493 = tpu.memref_slice %arg2[%add3A_322, %dma_wait3A_492] : memref<320000x128xf32, #tpu.memory_space<hbm>> -> memref<400x32xf32, #tpu.memory_space<hbm>>
    tpu.wait_dma2 semaphore(%arg27 : memref<!tpu.dma_semaphore, #tpu.memory_space<semaphore_mem>>) src(%dma_wait3A_493 : memref<400x32xf32, #tpu.memory_space<hbm>>) dst(%arg7 : memref<400x32xf32, #tpu.memory_space<vmem>>)
    %dma_wait3A_494 = tpu.memref_slice %arg3[%add3A_322] : memref<320000xi32, #tpu.memory_space<hbm>> -> memref<400xi32, #tpu.memory_space<hbm>>
    %dma_wait3A_495 = tpu.memref_slice %arg3[%add3A_322] : memref<320000xi32, #tpu.memory_space<hbm>> -> memref<400xi32, #tpu.memory_space<hbm>>
    tpu.wait_dma2 semaphore(%arg27 : memref<!tpu.dma_semaphore, #tpu.memory_space<semaphore_mem>>) src(%dma_wait3A_495 : memref<400xi32, #tpu.memory_space<hbm>>) dst(%arg15 : memref<400xi32, #tpu.memory_space<vmem>>)
    %get3A_496 = arith.constant 0 : index
    %get3A_497 = tpu.vector_load %arg15[%get3A_496] {strides = array<i32>} : memref<400xi32, #tpu.memory_space<vmem>>, vector<16xi32>,
    %slice3A_498 = vector.extract_strided_slice %get3A_497 {offsets = [0], sizes = [1], strides = [1]} : vector<16xi32> to vector<1xi32>
    %squeeze3A_499 = vector.extract %slice3A_498[0] : i32 from vector<1xi32>
    %get3A_500 = arith.constant 384 : index
    %get3A_501 = tpu.vector_load %arg15[%get3A_500] {strides = array<i32>} : memref<400xi32, #tpu.memory_space<vmem>>, vector<16xi32>,
    %slice3A_502 = vector.extract_strided_slice %get3A_501 {offsets = [15], sizes = [1], strides = [1]} : vector<16xi32> to vector<1xi32>
    %squeeze3A_503 = vector.extract %slice3A_502[0] : i32 from vector<1xi32>
    %broadcast_in_dim3A_504 = vector.broadcast %squeeze3A_499 : i32 to vector<16xi32>
    tpu.vector_store_idx %arg21[%iota3A, %broadcast_in_dim3A_504], %broadcast_in_dim3A_5 {add = true} : memref<16x16xf32, #tpu.memory_space<vmem>>[vector<16xi32>, vector<16xi32>], vector<16xf32>,
    %add3A_505 = arith.constant 7200 : i32
    %add3A_506 = arith.addi %mul3A_2, %add3A_505 : i32
    %dma_start3A_507 = arith.constant 0 : i32
    %dma_start3A_508 = tpu.memref_slice %arg2[%add3A_506, %dma_start3A_507] : memref<320000x128xf32, #tpu.memory_space<hbm>> -> memref<400x32xf32, #tpu.memory_space<hbm>>
    %dma_start3A_509 = arith.constant 0 : i32
    %dma_start3A_510 = tpu.memref_slice %arg2[%add3A_506, %dma_start3A_509] : memref<320000x128xf32, #tpu.memory_space<hbm>> -> memref<400x32xf32, #tpu.memory_space<hbm>>
    tpu.enqueue_dma source(%dma_start3A_510 : memref<400x32xf32, #tpu.memory_space<hbm>>) target(%arg7 : memref<400x32xf32, #tpu.memory_space<vmem>>) target_semaphore(%arg27 : memref<!tpu.dma_semaphore, #tpu.memory_space<semaphore_mem>>)
    %dma_start3A_511 = tpu.memref_slice %arg3[%add3A_506] : memref<320000xi32, #tpu.memory_space<hbm>> -> memref<400xi32, #tpu.memory_space<hbm>>
    %dma_start3A_512 = tpu.memref_slice %arg3[%add3A_506] : memref<320000xi32, #tpu.memory_space<hbm>> -> memref<400xi32, #tpu.memory_space<hbm>>
    tpu.enqueue_dma source(%dma_start3A_512 : memref<400xi32, #tpu.memory_space<hbm>>) target(%arg15 : memref<400xi32, #tpu.memory_space<vmem>>) target_semaphore(%arg27 : memref<!tpu.dma_semaphore, #tpu.memory_space<semaphore_mem>>)
    %dma_wait3A_513 = arith.constant 0 : i32
    %dma_wait3A_514 = tpu.memref_slice %arg2[%add3A_345, %dma_wait3A_513] : memref<320000x128xf32, #tpu.memory_space<hbm>> -> memref<400x32xf32, #tpu.memory_space<hbm>>
    %dma_wait3A_515 = arith.constant 0 : i32
    %dma_wait3A_516 = tpu.memref_slice %arg2[%add3A_345, %dma_wait3A_515] : memref<320000x128xf32, #tpu.memory_space<hbm>> -> memref<400x32xf32, #tpu.memory_space<hbm>>
    tpu.wait_dma2 semaphore(%arg28 : memref<!tpu.dma_semaphore, #tpu.memory_space<semaphore_mem>>) src(%dma_wait3A_516 : memref<400x32xf32, #tpu.memory_space<hbm>>) dst(%arg8 : memref<400x32xf32, #tpu.memory_space<vmem>>)
    %dma_wait3A_517 = tpu.memref_slice %arg3[%add3A_345] : memref<320000xi32, #tpu.memory_space<hbm>> -> memref<400xi32, #tpu.memory_space<hbm>>
    %dma_wait3A_518 = tpu.memref_slice %arg3[%add3A_345] : memref<320000xi32, #tpu.memory_space<hbm>> -> memref<400xi32, #tpu.memory_space<hbm>>
    tpu.wait_dma2 semaphore(%arg28 : memref<!tpu.dma_semaphore, #tpu.memory_space<semaphore_mem>>) src(%dma_wait3A_518 : memref<400xi32, #tpu.memory_space<hbm>>) dst(%arg16 : memref<400xi32, #tpu.memory_space<vmem>>)
    %get3A_519 = arith.constant 0 : index
    %get3A_520 = tpu.vector_load %arg16[%get3A_519] {strides = array<i32>} : memref<400xi32, #tpu.memory_space<vmem>>, vector<16xi32>,
    %slice3A_521 = vector.extract_strided_slice %get3A_520 {offsets = [0], sizes = [1], strides = [1]} : vector<16xi32> to vector<1xi32>
    %squeeze3A_522 = vector.extract %slice3A_521[0] : i32 from vector<1xi32>
    %get3A_523 = arith.constant 384 : index
    %get3A_524 = tpu.vector_load %arg16[%get3A_523] {strides = array<i32>} : memref<400xi32, #tpu.memory_space<vmem>>, vector<16xi32>,
    %slice3A_525 = vector.extract_strided_slice %get3A_524 {offsets = [15], sizes = [1], strides = [1]} : vector<16xi32> to vector<1xi32>
    %squeeze3A_526 = vector.extract %slice3A_525[0] : i32 from vector<1xi32>
    %broadcast_in_dim3A_527 = vector.broadcast %squeeze3A_522 : i32 to vector<16xi32>
    tpu.vector_store_idx %arg21[%iota3A, %broadcast_in_dim3A_527], %broadcast_in_dim3A_5 {add = true} : memref<16x16xf32, #tpu.memory_space<vmem>>[vector<16xi32>, vector<16xi32>], vector<16xf32>,
    %add3A_528 = arith.constant 7600 : i32
    %add3A_529 = arith.addi %mul3A_2, %add3A_528 : i32
    %dma_start3A_530 = arith.constant 0 : i32
    %dma_start3A_531 = tpu.memref_slice %arg2[%add3A_529, %dma_start3A_530] : memref<320000x128xf32, #tpu.memory_space<hbm>> -> memref<400x32xf32, #tpu.memory_space<hbm>>
    %dma_start3A_532 = arith.constant 0 : i32
    %dma_start3A_533 = tpu.memref_slice %arg2[%add3A_529, %dma_start3A_532] : memref<320000x128xf32, #tpu.memory_space<hbm>> -> memref<400x32xf32, #tpu.memory_space<hbm>>
    tpu.enqueue_dma source(%dma_start3A_533 : memref<400x32xf32, #tpu.memory_space<hbm>>) target(%arg8 : memref<400x32xf32, #tpu.memory_space<vmem>>) target_semaphore(%arg28 : memref<!tpu.dma_semaphore, #tpu.memory_space<semaphore_mem>>)
    %dma_start3A_534 = tpu.memref_slice %arg3[%add3A_529] : memref<320000xi32, #tpu.memory_space<hbm>> -> memref<400xi32, #tpu.memory_space<hbm>>
    %dma_start3A_535 = tpu.memref_slice %arg3[%add3A_529] : memref<320000xi32, #tpu.memory_space<hbm>> -> memref<400xi32, #tpu.memory_space<hbm>>
    tpu.enqueue_dma source(%dma_start3A_535 : memref<400xi32, #tpu.memory_space<hbm>>) target(%arg16 : memref<400xi32, #tpu.memory_space<vmem>>) target_semaphore(%arg28 : memref<!tpu.dma_semaphore, #tpu.memory_space<semaphore_mem>>)
    %dma_wait3A_536 = arith.constant 0 : i32
    %dma_wait3A_537 = tpu.memref_slice %arg2[%add3A_368, %dma_wait3A_536] : memref<320000x128xf32, #tpu.memory_space<hbm>> -> memref<400x32xf32, #tpu.memory_space<hbm>>
    %dma_wait3A_538 = arith.constant 0 : i32
    %dma_wait3A_539 = tpu.memref_slice %arg2[%add3A_368, %dma_wait3A_538] : memref<320000x128xf32, #tpu.memory_space<hbm>> -> memref<400x32xf32, #tpu.memory_space<hbm>>
    tpu.wait_dma2 semaphore(%arg29 : memref<!tpu.dma_semaphore, #tpu.memory_space<semaphore_mem>>) src(%dma_wait3A_539 : memref<400x32xf32, #tpu.memory_space<hbm>>) dst(%arg9 : memref<400x32xf32, #tpu.memory_space<vmem>>)
    %dma_wait3A_540 = tpu.memref_slice %arg3[%add3A_368] : memref<320000xi32, #tpu.memory_space<hbm>> -> memref<400xi32, #tpu.memory_space<hbm>>
    %dma_wait3A_541 = tpu.memref_slice %arg3[%add3A_368] : memref<320000xi32, #tpu.memory_space<hbm>> -> memref<400xi32, #tpu.memory_space<hbm>>
    tpu.wait_dma2 semaphore(%arg29 : memref<!tpu.dma_semaphore, #tpu.memory_space<semaphore_mem>>) src(%dma_wait3A_541 : memref<400xi32, #tpu.memory_space<hbm>>) dst(%arg17 : memref<400xi32, #tpu.memory_space<vmem>>)
    %get3A_542 = arith.constant 0 : index
    %get3A_543 = tpu.vector_load %arg17[%get3A_542] {strides = array<i32>} : memref<400xi32, #tpu.memory_space<vmem>>, vector<16xi32>,
    %slice3A_544 = vector.extract_strided_slice %get3A_543 {offsets = [0], sizes = [1], strides = [1]} : vector<16xi32> to vector<1xi32>
    %squeeze3A_545 = vector.extract %slice3A_544[0] : i32 from vector<1xi32>
    %get3A_546 = arith.constant 384 : index
    %get3A_547 = tpu.vector_load %arg17[%get3A_546] {strides = array<i32>} : memref<400xi32, #tpu.memory_space<vmem>>, vector<16xi32>,
    %slice3A_548 = vector.extract_strided_slice %get3A_547 {offsets = [15], sizes = [1], strides = [1]} : vector<16xi32> to vector<1xi32>
    %squeeze3A_549 = vector.extract %slice3A_548[0] : i32 from vector<1xi32>
    %broadcast_in_dim3A_550 = vector.broadcast %squeeze3A_545 : i32 to vector<16xi32>
    tpu.vector_store_idx %arg21[%iota3A, %broadcast_in_dim3A_550], %broadcast_in_dim3A_5 {add = true} : memref<16x16xf32, #tpu.memory_space<vmem>>[vector<16xi32>, vector<16xi32>], vector<16xf32>,
    %add3A_551 = arith.constant 8000 : i32
    %add3A_552 = arith.addi %mul3A_2, %add3A_551 : i32
    %dma_start3A_553 = arith.constant 0 : i32
    %dma_start3A_554 = tpu.memref_slice %arg2[%add3A_552, %dma_start3A_553] : memref<320000x128xf32, #tpu.memory_space<hbm>> -> memref<400x32xf32, #tpu.memory_space<hbm>>
    %dma_start3A_555 = arith.constant 0 : i32
    %dma_start3A_556 = tpu.memref_slice %arg2[%add3A_552, %dma_start3A_555] : memref<320000x128xf32, #tpu.memory_space<hbm>> -> memref<400x32xf32, #tpu.memory_space<hbm>>
    tpu.enqueue_dma source(%dma_start3A_556 : memref<400x32xf32, #tpu.memory_space<hbm>>) target(%arg9 : memref<400x32xf32, #tpu.memory_space<vmem>>) target_semaphore(%arg29 : memref<!tpu.dma_semaphore, #tpu.memory_space<semaphore_mem>>)
    %dma_start3A_557 = tpu.memref_slice %arg3[%add3A_552] : memref<320000xi32, #tpu.memory_space<hbm>> -> memref<400xi32, #tpu.memory_space<hbm>>
    %dma_start3A_558 = tpu.memref_slice %arg3[%add3A_552] : memref<320000xi32, #tpu.memory_space<hbm>> -> memref<400xi32, #tpu.memory_space<hbm>>
    tpu.enqueue_dma source(%dma_start3A_558 : memref<400xi32, #tpu.memory_space<hbm>>) target(%arg17 : memref<400xi32, #tpu.memory_space<vmem>>) target_semaphore(%arg29 : memref<!tpu.dma_semaphore, #tpu.memory_space<semaphore_mem>>)
    %dma_wait3A_559 = arith.constant 0 : i32
    %dma_wait3A_560 = tpu.memref_slice %arg2[%add3A_391, %dma_wait3A_559] : memref<320000x128xf32, #tpu.memory_space<hbm>> -> memref<400x32xf32, #tpu.memory_space<hbm>>
    %dma_wait3A_561 = arith.constant 0 : i32
    %dma_wait3A_562 = tpu.memref_slice %arg2[%add3A_391, %dma_wait3A_561] : memref<320000x128xf32, #tpu.memory_space<hbm>> -> memref<400x32xf32, #tpu.memory_space<hbm>>
    tpu.wait_dma2 semaphore(%arg30 : memref<!tpu.dma_semaphore, #tpu.memory_space<semaphore_mem>>) src(%dma_wait3A_562 : memref<400x32xf32, #tpu.memory_space<hbm>>) dst(%arg10 : memref<400x32xf32, #tpu.memory_space<vmem>>)
    %dma_wait3A_563 = tpu.memref_slice %arg3[%add3A_391] : memref<320000xi32, #tpu.memory_space<hbm>> -> memref<400xi32, #tpu.memory_space<hbm>>
    %dma_wait3A_564 = tpu.memref_slice %arg3[%add3A_391] : memref<320000xi32, #tpu.memory_space<hbm>> -> memref<400xi32, #tpu.memory_space<hbm>>
    tpu.wait_dma2 semaphore(%arg30 : memref<!tpu.dma_semaphore, #tpu.memory_space<semaphore_mem>>) src(%dma_wait3A_564 : memref<400xi32, #tpu.memory_space<hbm>>) dst(%arg18 : memref<400xi32, #tpu.memory_space<vmem>>)
    %get3A_565 = arith.constant 0 : index
    %get3A_566 = tpu.vector_load %arg18[%get3A_565] {strides = array<i32>} : memref<400xi32, #tpu.memory_space<vmem>>, vector<16xi32>,
    %slice3A_567 = vector.extract_strided_slice %get3A_566 {offsets = [0], sizes = [1], strides = [1]} : vector<16xi32> to vector<1xi32>
    %squeeze3A_568 = vector.extract %slice3A_567[0] : i32 from vector<1xi32>
    %get3A_569 = arith.constant 384 : index
    %get3A_570 = tpu.vector_load %arg18[%get3A_569] {strides = array<i32>} : memref<400xi32, #tpu.memory_space<vmem>>, vector<16xi32>,
    %slice3A_571 = vector.extract_strided_slice %get3A_570 {offsets = [15], sizes = [1], strides = [1]} : vector<16xi32> to vector<1xi32>
    %squeeze3A_572 = vector.extract %slice3A_571[0] : i32 from vector<1xi32>
    %broadcast_in_dim3A_573 = vector.broadcast %squeeze3A_568 : i32 to vector<16xi32>
    tpu.vector_store_idx %arg21[%iota3A, %broadcast_in_dim3A_573], %broadcast_in_dim3A_5 {add = true} : memref<16x16xf32, #tpu.memory_space<vmem>>[vector<16xi32>, vector<16xi32>], vector<16xf32>,
    %add3A_574 = arith.constant 8400 : i32
    %add3A_575 = arith.addi %mul3A_2, %add3A_574 : i32
    %dma_start3A_576 = arith.constant 0 : i32
    %dma_start3A_577 = tpu.memref_slice %arg2[%add3A_575, %dma_start3A_576] : memref<320000x128xf32, #tpu.memory_space<hbm>> -> memref<400x32xf32, #tpu.memory_space<hbm>>
    %dma_start3A_578 = arith.constant 0 : i32
    %dma_start3A_579 = tpu.memref_slice %arg2[%add3A_575, %dma_start3A_578] : memref<320000x128xf32, #tpu.memory_space<hbm>> -> memref<400x32xf32, #tpu.memory_space<hbm>>
    tpu.enqueue_dma source(%dma_start3A_579 : memref<400x32xf32, #tpu.memory_space<hbm>>) target(%arg10 : memref<400x32xf32, #tpu.memory_space<vmem>>) target_semaphore(%arg30 : memref<!tpu.dma_semaphore, #tpu.memory_space<semaphore_mem>>)
    %dma_start3A_580 = tpu.memref_slice %arg3[%add3A_575] : memref<320000xi32, #tpu.memory_space<hbm>> -> memref<400xi32, #tpu.memory_space<hbm>>
    %dma_start3A_581 = tpu.memref_slice %arg3[%add3A_575] : memref<320000xi32, #tpu.memory_space<hbm>> -> memref<400xi32, #tpu.memory_space<hbm>>
    tpu.enqueue_dma source(%dma_start3A_581 : memref<400xi32, #tpu.memory_space<hbm>>) target(%arg18 : memref<400xi32, #tpu.memory_space<vmem>>) target_semaphore(%arg30 : memref<!tpu.dma_semaphore, #tpu.memory_space<semaphore_mem>>)
    %dma_wait3A_582 = arith.constant 0 : i32
    %dma_wait3A_583 = tpu.memref_slice %arg2[%add3A_414, %dma_wait3A_582] : memref<320000x128xf32, #tpu.memory_space<hbm>> -> memref<400x32xf32, #tpu.memory_space<hbm>>
    %dma_wait3A_584 = arith.constant 0 : i32
    %dma_wait3A_585 = tpu.memref_slice %arg2[%add3A_414, %dma_wait3A_584] : memref<320000x128xf32, #tpu.memory_space<hbm>> -> memref<400x32xf32, #tpu.memory_space<hbm>>
    tpu.wait_dma2 semaphore(%arg31 : memref<!tpu.dma_semaphore, #tpu.memory_space<semaphore_mem>>) src(%dma_wait3A_585 : memref<400x32xf32, #tpu.memory_space<hbm>>) dst(%arg11 : memref<400x32xf32, #tpu.memory_space<vmem>>)
    %dma_wait3A_586 = tpu.memref_slice %arg3[%add3A_414] : memref<320000xi32, #tpu.memory_space<hbm>> -> memref<400xi32, #tpu.memory_space<hbm>>
    %dma_wait3A_587 = tpu.memref_slice %arg3[%add3A_414] : memref<320000xi32, #tpu.memory_space<hbm>> -> memref<400xi32, #tpu.memory_space<hbm>>
    tpu.wait_dma2 semaphore(%arg31 : memref<!tpu.dma_semaphore, #tpu.memory_space<semaphore_mem>>) src(%dma_wait3A_587 : memref<400xi32, #tpu.memory_space<hbm>>) dst(%arg19 : memref<400xi32, #tpu.memory_space<vmem>>)
    %get3A_588 = arith.constant 0 : index
    %get3A_589 = tpu.vector_load %arg19[%get3A_588] {strides = array<i32>} : memref<400xi32, #tpu.memory_space<vmem>>, vector<16xi32>,
    %slice3A_590 = vector.extract_strided_slice %get3A_589 {offsets = [0], sizes = [1], strides = [1]} : vector<16xi32> to vector<1xi32>
    %squeeze3A_591 = vector.extract %slice3A_590[0] : i32 from vector<1xi32>
    %get3A_592 = arith.constant 384 : index
    %get3A_593 = tpu.vector_load %arg19[%get3A_592] {strides = array<i32>} : memref<400xi32, #tpu.memory_space<vmem>>, vector<16xi32>,
    %slice3A_594 = vector.extract_strided_slice %get3A_593 {offsets = [15], sizes = [1], strides = [1]} : vector<16xi32> to vector<1xi32>
    %squeeze3A_595 = vector.extract %slice3A_594[0] : i32 from vector<1xi32>
    %broadcast_in_dim3A_596 = vector.broadcast %squeeze3A_591 : i32 to vector<16xi32>
    tpu.vector_store_idx %arg21[%iota3A, %broadcast_in_dim3A_596], %broadcast_in_dim3A_5 {add = true} : memref<16x16xf32, #tpu.memory_space<vmem>>[vector<16xi32>, vector<16xi32>], vector<16xf32>,
    %add3A_597 = arith.constant 8800 : i32
    %add3A_598 = arith.addi %mul3A_2, %add3A_597 : i32
    %dma_start3A_599 = arith.constant 0 : i32
    %dma_start3A_600 = tpu.memref_slice %arg2[%add3A_598, %dma_start3A_599] : memref<320000x128xf32, #tpu.memory_space<hbm>> -> memref<400x32xf32, #tpu.memory_space<hbm>>
    %dma_start3A_601 = arith.constant 0 : i32
    %dma_start3A_602 = tpu.memref_slice %arg2[%add3A_598, %dma_start3A_601] : memref<320000x128xf32, #tpu.memory_space<hbm>> -> memref<400x32xf32, #tpu.memory_space<hbm>>
    tpu.enqueue_dma source(%dma_start3A_602 : memref<400x32xf32, #tpu.memory_space<hbm>>) target(%arg11 : memref<400x32xf32, #tpu.memory_space<vmem>>) target_semaphore(%arg31 : memref<!tpu.dma_semaphore, #tpu.memory_space<semaphore_mem>>)
    %dma_start3A_603 = tpu.memref_slice %arg3[%add3A_598] : memref<320000xi32, #tpu.memory_space<hbm>> -> memref<400xi32, #tpu.memory_space<hbm>>
    %dma_start3A_604 = tpu.memref_slice %arg3[%add3A_598] : memref<320000xi32, #tpu.memory_space<hbm>> -> memref<400xi32, #tpu.memory_space<hbm>>
    tpu.enqueue_dma source(%dma_start3A_604 : memref<400xi32, #tpu.memory_space<hbm>>) target(%arg19 : memref<400xi32, #tpu.memory_space<vmem>>) target_semaphore(%arg31 : memref<!tpu.dma_semaphore, #tpu.memory_space<semaphore_mem>>)
    %dma_wait3A_605 = arith.constant 0 : i32
    %dma_wait3A_606 = tpu.memref_slice %arg2[%add3A_437, %dma_wait3A_605] : memref<320000x128xf32, #tpu.memory_space<hbm>> -> memref<400x32xf32, #tpu.memory_space<hbm>>
    %dma_wait3A_607 = arith.constant 0 : i32
    %dma_wait3A_608 = tpu.memref_slice %arg2[%add3A_437, %dma_wait3A_607] : memref<320000x128xf32, #tpu.memory_space<hbm>> -> memref<400x32xf32, #tpu.memory_space<hbm>>
    tpu.wait_dma2 semaphore(%arg32 : memref<!tpu.dma_semaphore, #tpu.memory_space<semaphore_mem>>) src(%dma_wait3A_608 : memref<400x32xf32, #tpu.memory_space<hbm>>) dst(%arg12 : memref<400x32xf32, #tpu.memory_space<vmem>>)
    %dma_wait3A_609 = tpu.memref_slice %arg3[%add3A_437] : memref<320000xi32, #tpu.memory_space<hbm>> -> memref<400xi32, #tpu.memory_space<hbm>>
    %dma_wait3A_610 = tpu.memref_slice %arg3[%add3A_437] : memref<320000xi32, #tpu.memory_space<hbm>> -> memref<400xi32, #tpu.memory_space<hbm>>
    tpu.wait_dma2 semaphore(%arg32 : memref<!tpu.dma_semaphore, #tpu.memory_space<semaphore_mem>>) src(%dma_wait3A_610 : memref<400xi32, #tpu.memory_space<hbm>>) dst(%arg20 : memref<400xi32, #tpu.memory_space<vmem>>)
    %get3A_611 = arith.constant 0 : index
    %get3A_612 = tpu.vector_load %arg20[%get3A_611] {strides = array<i32>} : memref<400xi32, #tpu.memory_space<vmem>>, vector<16xi32>,
    %slice3A_613 = vector.extract_strided_slice %get3A_612 {offsets = [0], sizes = [1], strides = [1]} : vector<16xi32> to vector<1xi32>
    %squeeze3A_614 = vector.extract %slice3A_613[0] : i32 from vector<1xi32>
    %get3A_615 = arith.constant 384 : index
    %get3A_616 = tpu.vector_load %arg20[%get3A_615] {strides = array<i32>} : memref<400xi32, #tpu.memory_space<vmem>>, vector<16xi32>,
    %slice3A_617 = vector.extract_strided_slice %get3A_616 {offsets = [15], sizes = [1], strides = [1]} : vector<16xi32> to vector<1xi32>
    %squeeze3A_618 = vector.extract %slice3A_617[0] : i32 from vector<1xi32>
    %broadcast_in_dim3A_619 = vector.broadcast %squeeze3A_614 : i32 to vector<16xi32>
    tpu.vector_store_idx %arg21[%iota3A, %broadcast_in_dim3A_619], %broadcast_in_dim3A_5 {add = true} : memref<16x16xf32, #tpu.memory_space<vmem>>[vector<16xi32>, vector<16xi32>], vector<16xf32>,
    %add3A_620 = arith.constant 9200 : i32
    %add3A_621 = arith.addi %mul3A_2, %add3A_620 : i32
    %dma_start3A_622 = arith.constant 0 : i32
    %dma_start3A_623 = tpu.memref_slice %arg2[%add3A_621, %dma_start3A_622] : memref<320000x128xf32, #tpu.memory_space<hbm>> -> memref<400x32xf32, #tpu.memory_space<hbm>>
    %dma_start3A_624 = arith.constant 0 : i32
    %dma_start3A_625 = tpu.memref_slice %arg2[%add3A_621, %dma_start3A_624] : memref<320000x128xf32, #tpu.memory_space<hbm>> -> memref<400x32xf32, #tpu.memory_space<hbm>>
    tpu.enqueue_dma source(%dma_start3A_625 : memref<400x32xf32, #tpu.memory_space<hbm>>) target(%arg12 : memref<400x32xf32, #tpu.memory_space<vmem>>) target_semaphore(%arg32 : memref<!tpu.dma_semaphore, #tpu.memory_space<semaphore_mem>>)
    %dma_start3A_626 = tpu.memref_slice %arg3[%add3A_621] : memref<320000xi32, #tpu.memory_space<hbm>> -> memref<400xi32, #tpu.memory_space<hbm>>
    %dma_start3A_627 = tpu.memref_slice %arg3[%add3A_621] : memref<320000xi32, #tpu.memory_space<hbm>> -> memref<400xi32, #tpu.memory_space<hbm>>
    tpu.enqueue_dma source(%dma_start3A_627 : memref<400xi32, #tpu.memory_space<hbm>>) target(%arg20 : memref<400xi32, #tpu.memory_space<vmem>>) target_semaphore(%arg32 : memref<!tpu.dma_semaphore, #tpu.memory_space<semaphore_mem>>)
    %dma_wait3A_628 = arith.constant 0 : i32
    %dma_wait3A_629 = tpu.memref_slice %arg2[%add3A_460, %dma_wait3A_628] : memref<320000x128xf32, #tpu.memory_space<hbm>> -> memref<400x32xf32, #tpu.memory_space<hbm>>
    %dma_wait3A_630 = arith.constant 0 : i32
    %dma_wait3A_631 = tpu.memref_slice %arg2[%add3A_460, %dma_wait3A_630] : memref<320000x128xf32, #tpu.memory_space<hbm>> -> memref<400x32xf32, #tpu.memory_space<hbm>>
    tpu.wait_dma2 semaphore(%arg25 : memref<!tpu.dma_semaphore, #tpu.memory_space<semaphore_mem>>) src(%dma_wait3A_631 : memref<400x32xf32, #tpu.memory_space<hbm>>) dst(%arg5 : memref<400x32xf32, #tpu.memory_space<vmem>>)
    %dma_wait3A_632 = tpu.memref_slice %arg3[%add3A_460] : memref<320000xi32, #tpu.memory_space<hbm>> -> memref<400xi32, #tpu.memory_space<hbm>>
    %dma_wait3A_633 = tpu.memref_slice %arg3[%add3A_460] : memref<320000xi32, #tpu.memory_space<hbm>> -> memref<400xi32, #tpu.memory_space<hbm>>
    tpu.wait_dma2 semaphore(%arg25 : memref<!tpu.dma_semaphore, #tpu.memory_space<semaphore_mem>>) src(%dma_wait3A_633 : memref<400xi32, #tpu.memory_space<hbm>>) dst(%arg13 : memref<400xi32, #tpu.memory_space<vmem>>)
    %get3A_634 = arith.constant 0 : index
    %get3A_635 = tpu.vector_load %arg13[%get3A_634] {strides = array<i32>} : memref<400xi32, #tpu.memory_space<vmem>>, vector<16xi32>,
    %slice3A_636 = vector.extract_strided_slice %get3A_635 {offsets = [0], sizes = [1], strides = [1]} : vector<16xi32> to vector<1xi32>
    %squeeze3A_637 = vector.extract %slice3A_636[0] : i32 from vector<1xi32>
    %get3A_638 = arith.constant 384 : index
    %get3A_639 = tpu.vector_load %arg13[%get3A_638] {strides = array<i32>} : memref<400xi32, #tpu.memory_space<vmem>>, vector<16xi32>,
    %slice3A_640 = vector.extract_strided_slice %get3A_639 {offsets = [15], sizes = [1], strides = [1]} : vector<16xi32> to vector<1xi32>
    %squeeze3A_641 = vector.extract %slice3A_640[0] : i32 from vector<1xi32>
    %broadcast_in_dim3A_642 = vector.broadcast %squeeze3A_637 : i32 to vector<16xi32>
    tpu.vector_store_idx %arg21[%iota3A, %broadcast_in_dim3A_642], %broadcast_in_dim3A_5 {add = true} : memref<16x16xf32, #tpu.memory_space<vmem>>[vector<16xi32>, vector<16xi32>], vector<16xf32>,
    %add3A_643 = arith.constant 9600 : i32
    %add3A_644 = arith.addi %mul3A_2, %add3A_643 : i32
    %dma_start3A_645 = arith.constant 0 : i32
    %dma_start3A_646 = tpu.memref_slice %arg2[%add3A_644, %dma_start3A_645] : memref<320000x128xf32, #tpu.memory_space<hbm>> -> memref<400x32xf32, #tpu.memory_space<hbm>>
    %dma_start3A_647 = arith.constant 0 : i32
    %dma_start3A_648 = tpu.memref_slice %arg2[%add3A_644, %dma_start3A_647] : memref<320000x128xf32, #tpu.memory_space<hbm>> -> memref<400x32xf32, #tpu.memory_space<hbm>>
    tpu.enqueue_dma source(%dma_start3A_648 : memref<400x32xf32, #tpu.memory_space<hbm>>) target(%arg5 : memref<400x32xf32, #tpu.memory_space<vmem>>) target_semaphore(%arg25 : memref<!tpu.dma_semaphore, #tpu.memory_space<semaphore_mem>>)
    %dma_start3A_649 = tpu.memref_slice %arg3[%add3A_644] : memref<320000xi32, #tpu.memory_space<hbm>> -> memref<400xi32, #tpu.memory_space<hbm>>
    %dma_start3A_650 = tpu.memref_slice %arg3[%add3A_644] : memref<320000xi32, #tpu.memory_space<hbm>> -> memref<400xi32, #tpu.memory_space<hbm>>
    tpu.enqueue_dma source(%dma_start3A_650 : memref<400xi32, #tpu.memory_space<hbm>>) target(%arg13 : memref<400xi32, #tpu.memory_space<vmem>>) target_semaphore(%arg25 : memref<!tpu.dma_semaphore, #tpu.memory_space<semaphore_mem>>)
    %dma_wait3A_651 = arith.constant 0 : i32
    %dma_wait3A_652 = tpu.memref_slice %arg2[%add3A_483, %dma_wait3A_651] : memref<320000x128xf32, #tpu.memory_space<hbm>> -> memref<400x32xf32, #tpu.memory_space<hbm>>
    %dma_wait3A_653 = arith.constant 0 : i32
    %dma_wait3A_654 = tpu.memref_slice %arg2[%add3A_483, %dma_wait3A_653] : memref<320000x128xf32, #tpu.memory_space<hbm>> -> memref<400x32xf32, #tpu.memory_space<hbm>>
    tpu.wait_dma2 semaphore(%arg26 : memref<!tpu.dma_semaphore, #tpu.memory_space<semaphore_mem>>) src(%dma_wait3A_654 : memref<400x32xf32, #tpu.memory_space<hbm>>) dst(%arg6 : memref<400x32xf32, #tpu.memory_space<vmem>>)
    %dma_wait3A_655 = tpu.memref_slice %arg3[%add3A_483] : memref<320000xi32, #tpu.memory_space<hbm>> -> memref<400xi32, #tpu.memory_space<hbm>>
    %dma_wait3A_656 = tpu.memref_slice %arg3[%add3A_483] : memref<320000xi32, #tpu.memory_space<hbm>> -> memref<400xi32, #tpu.memory_space<hbm>>
    tpu.wait_dma2 semaphore(%arg26 : memref<!tpu.dma_semaphore, #tpu.memory_space<semaphore_mem>>) src(%dma_wait3A_656 : memref<400xi32, #tpu.memory_space<hbm>>) dst(%arg14 : memref<400xi32, #tpu.memory_space<vmem>>)
    %get3A_657 = arith.constant 0 : index
    %get3A_658 = tpu.vector_load %arg14[%get3A_657] {strides = array<i32>} : memref<400xi32, #tpu.memory_space<vmem>>, vector<16xi32>,
    %slice3A_659 = vector.extract_strided_slice %get3A_658 {offsets = [0], sizes = [1], strides = [1]} : vector<16xi32> to vector<1xi32>
    %squeeze3A_660 = vector.extract %slice3A_659[0] : i32 from vector<1xi32>
    %get3A_661 = arith.constant 384 : index
    %get3A_662 = tpu.vector_load %arg14[%get3A_661] {strides = array<i32>} : memref<400xi32, #tpu.memory_space<vmem>>, vector<16xi32>,
    %slice3A_663 = vector.extract_strided_slice %get3A_662 {offsets = [15], sizes = [1], strides = [1]} : vector<16xi32> to vector<1xi32>
    %squeeze3A_664 = vector.extract %slice3A_663[0] : i32 from vector<1xi32>
    %broadcast_in_dim3A_665 = vector.broadcast %squeeze3A_660 : i32 to vector<16xi32>
    tpu.vector_store_idx %arg21[%iota3A, %broadcast_in_dim3A_665], %broadcast_in_dim3A_5 {add = true} : memref<16x16xf32, #tpu.memory_space<vmem>>[vector<16xi32>, vector<16xi32>], vector<16xf32>,
    %dma_wait3A_666 = arith.constant 0 : i32
    %dma_wait3A_667 = tpu.memref_slice %arg2[%add3A_506, %dma_wait3A_666] : memref<320000x128xf32, #tpu.memory_space<hbm>> -> memref<400x32xf32, #tpu.memory_space<hbm>>
    %dma_wait3A_668 = arith.constant 0 : i32
    %dma_wait3A_669 = tpu.memref_slice %arg2[%add3A_506, %dma_wait3A_668] : memref<320000x128xf32, #tpu.memory_space<hbm>> -> memref<400x32xf32, #tpu.memory_space<hbm>>
    tpu.wait_dma2 semaphore(%arg27 : memref<!tpu.dma_semaphore, #tpu.memory_space<semaphore_mem>>) src(%dma_wait3A_669 : memref<400x32xf32, #tpu.memory_space<hbm>>) dst(%arg7 : memref<400x32xf32, #tpu.memory_space<vmem>>)
    %dma_wait3A_670 = tpu.memref_slice %arg3[%add3A_506] : memref<320000xi32, #tpu.memory_space<hbm>> -> memref<400xi32, #tpu.memory_space<hbm>>
    %dma_wait3A_671 = tpu.memref_slice %arg3[%add3A_506] : memref<320000xi32, #tpu.memory_space<hbm>> -> memref<400xi32, #tpu.memory_space<hbm>>
    tpu.wait_dma2 semaphore(%arg27 : memref<!tpu.dma_semaphore, #tpu.memory_space<semaphore_mem>>) src(%dma_wait3A_671 : memref<400xi32, #tpu.memory_space<hbm>>) dst(%arg15 : memref<400xi32, #tpu.memory_space<vmem>>)
    %get3A_672 = arith.constant 0 : index
    %get3A_673 = tpu.vector_load %arg15[%get3A_672] {strides = array<i32>} : memref<400xi32, #tpu.memory_space<vmem>>, vector<16xi32>,
    %slice3A_674 = vector.extract_strided_slice %get3A_673 {offsets = [0], sizes = [1], strides = [1]} : vector<16xi32> to vector<1xi32>
    %squeeze3A_675 = vector.extract %slice3A_674[0] : i32 from vector<1xi32>
    %get3A_676 = arith.constant 384 : index
    %get3A_677 = tpu.vector_load %arg15[%get3A_676] {strides = array<i32>} : memref<400xi32, #tpu.memory_space<vmem>>, vector<16xi32>,
    %slice3A_678 = vector.extract_strided_slice %get3A_677 {offsets = [15], sizes = [1], strides = [1]} : vector<16xi32> to vector<1xi32>
    %squeeze3A_679 = vector.extract %slice3A_678[0] : i32 from vector<1xi32>
    %broadcast_in_dim3A_680 = vector.broadcast %squeeze3A_675 : i32 to vector<16xi32>
    tpu.vector_store_idx %arg21[%iota3A, %broadcast_in_dim3A_680], %broadcast_in_dim3A_5 {add = true} : memref<16x16xf32, #tpu.memory_space<vmem>>[vector<16xi32>, vector<16xi32>], vector<16xf32>,
    %dma_wait3A_681 = arith.constant 0 : i32
    %dma_wait3A_682 = tpu.memref_slice %arg2[%add3A_529, %dma_wait3A_681] : memref<320000x128xf32, #tpu.memory_space<hbm>> -> memref<400x32xf32, #tpu.memory_space<hbm>>
    %dma_wait3A_683 = arith.constant 0 : i32
    %dma_wait3A_684 = tpu.memref_slice %arg2[%add3A_529, %dma_wait3A_683] : memref<320000x128xf32, #tpu.memory_space<hbm>> -> memref<400x32xf32, #tpu.memory_space<hbm>>
    tpu.wait_dma2 semaphore(%arg28 : memref<!tpu.dma_semaphore, #tpu.memory_space<semaphore_mem>>) src(%dma_wait3A_684 : memref<400x32xf32, #tpu.memory_space<hbm>>) dst(%arg8 : memref<400x32xf32, #tpu.memory_space<vmem>>)
    %dma_wait3A_685 = tpu.memref_slice %arg3[%add3A_529] : memref<320000xi32, #tpu.memory_space<hbm>> -> memref<400xi32, #tpu.memory_space<hbm>>
    %dma_wait3A_686 = tpu.memref_slice %arg3[%add3A_529] : memref<320000xi32, #tpu.memory_space<hbm>> -> memref<400xi32, #tpu.memory_space<hbm>>
    tpu.wait_dma2 semaphore(%arg28 : memref<!tpu.dma_semaphore, #tpu.memory_space<semaphore_mem>>) src(%dma_wait3A_686 : memref<400xi32, #tpu.memory_space<hbm>>) dst(%arg16 : memref<400xi32, #tpu.memory_space<vmem>>)
    %get3A_687 = arith.constant 0 : index
    %get3A_688 = tpu.vector_load %arg16[%get3A_687] {strides = array<i32>} : memref<400xi32, #tpu.memory_space<vmem>>, vector<16xi32>,
    %slice3A_689 = vector.extract_strided_slice %get3A_688 {offsets = [0], sizes = [1], strides = [1]} : vector<16xi32> to vector<1xi32>
    %squeeze3A_690 = vector.extract %slice3A_689[0] : i32 from vector<1xi32>
    %get3A_691 = arith.constant 384 : index
    %get3A_692 = tpu.vector_load %arg16[%get3A_691] {strides = array<i32>} : memref<400xi32, #tpu.memory_space<vmem>>, vector<16xi32>,
    %slice3A_693 = vector.extract_strided_slice %get3A_692 {offsets = [15], sizes = [1], strides = [1]} : vector<16xi32> to vector<1xi32>
    %squeeze3A_694 = vector.extract %slice3A_693[0] : i32 from vector<1xi32>
    %broadcast_in_dim3A_695 = vector.broadcast %squeeze3A_690 : i32 to vector<16xi32>
    tpu.vector_store_idx %arg21[%iota3A, %broadcast_in_dim3A_695], %broadcast_in_dim3A_5 {add = true} : memref<16x16xf32, #tpu.memory_space<vmem>>[vector<16xi32>, vector<16xi32>], vector<16xf32>,
    %dma_wait3A_696 = arith.constant 0 : i32
    %dma_wait3A_697 = tpu.memref_slice %arg2[%add3A_552, %dma_wait3A_696] : memref<320000x128xf32, #tpu.memory_space<hbm>> -> memref<400x32xf32, #tpu.memory_space<hbm>>
    %dma_wait3A_698 = arith.constant 0 : i32
    %dma_wait3A_699 = tpu.memref_slice %arg2[%add3A_552, %dma_wait3A_698] : memref<320000x128xf32, #tpu.memory_space<hbm>> -> memref<400x32xf32, #tpu.memory_space<hbm>>
    tpu.wait_dma2 semaphore(%arg29 : memref<!tpu.dma_semaphore, #tpu.memory_space<semaphore_mem>>) src(%dma_wait3A_699 : memref<400x32xf32, #tpu.memory_space<hbm>>) dst(%arg9 : memref<400x32xf32, #tpu.memory_space<vmem>>)
    %dma_wait3A_700 = tpu.memref_slice %arg3[%add3A_552] : memref<320000xi32, #tpu.memory_space<hbm>> -> memref<400xi32, #tpu.memory_space<hbm>>
    %dma_wait3A_701 = tpu.memref_slice %arg3[%add3A_552] : memref<320000xi32, #tpu.memory_space<hbm>> -> memref<400xi32, #tpu.memory_space<hbm>>
    tpu.wait_dma2 semaphore(%arg29 : memref<!tpu.dma_semaphore, #tpu.memory_space<semaphore_mem>>) src(%dma_wait3A_701 : memref<400xi32, #tpu.memory_space<hbm>>) dst(%arg17 : memref<400xi32, #tpu.memory_space<vmem>>)
    %get3A_702 = arith.constant 0 : index
    %get3A_703 = tpu.vector_load %arg17[%get3A_702] {strides = array<i32>} : memref<400xi32, #tpu.memory_space<vmem>>, vector<16xi32>,
    %slice3A_704 = vector.extract_strided_slice %get3A_703 {offsets = [0], sizes = [1], strides = [1]} : vector<16xi32> to vector<1xi32>
    %squeeze3A_705 = vector.extract %slice3A_704[0] : i32 from vector<1xi32>
    %get3A_706 = arith.constant 384 : index
    %get3A_707 = tpu.vector_load %arg17[%get3A_706] {strides = array<i32>} : memref<400xi32, #tpu.memory_space<vmem>>, vector<16xi32>,
    %slice3A_708 = vector.extract_strided_slice %get3A_707 {offsets = [15], sizes = [1], strides = [1]} : vector<16xi32> to vector<1xi32>
    %squeeze3A_709 = vector.extract %slice3A_708[0] : i32 from vector<1xi32>
    %broadcast_in_dim3A_710 = vector.broadcast %squeeze3A_705 : i32 to vector<16xi32>
    tpu.vector_store_idx %arg21[%iota3A, %broadcast_in_dim3A_710], %broadcast_in_dim3A_5 {add = true} : memref<16x16xf32, #tpu.memory_space<vmem>>[vector<16xi32>, vector<16xi32>], vector<16xf32>,
    %dma_wait3A_711 = arith.constant 0 : i32
    %dma_wait3A_712 = tpu.memref_slice %arg2[%add3A_575, %dma_wait3A_711] : memref<320000x128xf32, #tpu.memory_space<hbm>> -> memref<400x32xf32, #tpu.memory_space<hbm>>
    %dma_wait3A_713 = arith.constant 0 : i32
    %dma_wait3A_714 = tpu.memref_slice %arg2[%add3A_575, %dma_wait3A_713] : memref<320000x128xf32, #tpu.memory_space<hbm>> -> memref<400x32xf32, #tpu.memory_space<hbm>>
    tpu.wait_dma2 semaphore(%arg30 : memref<!tpu.dma_semaphore, #tpu.memory_space<semaphore_mem>>) src(%dma_wait3A_714 : memref<400x32xf32, #tpu.memory_space<hbm>>) dst(%arg10 : memref<400x32xf32, #tpu.memory_space<vmem>>)
    %dma_wait3A_715 = tpu.memref_slice %arg3[%add3A_575] : memref<320000xi32, #tpu.memory_space<hbm>> -> memref<400xi32, #tpu.memory_space<hbm>>
    %dma_wait3A_716 = tpu.memref_slice %arg3[%add3A_575] : memref<320000xi32, #tpu.memory_space<hbm>> -> memref<400xi32, #tpu.memory_space<hbm>>
    tpu.wait_dma2 semaphore(%arg30 : memref<!tpu.dma_semaphore, #tpu.memory_space<semaphore_mem>>) src(%dma_wait3A_716 : memref<400xi32, #tpu.memory_space<hbm>>) dst(%arg18 : memref<400xi32, #tpu.memory_space<vmem>>)
    %get3A_717 = arith.constant 0 : index
    %get3A_718 = tpu.vector_load %arg18[%get3A_717] {strides = array<i32>} : memref<400xi32, #tpu.memory_space<vmem>>, vector<16xi32>,
    %slice3A_719 = vector.extract_strided_slice %get3A_718 {offsets = [0], sizes = [1], strides = [1]} : vector<16xi32> to vector<1xi32>
    %squeeze3A_720 = vector.extract %slice3A_719[0] : i32 from vector<1xi32>
    %get3A_721 = arith.constant 384 : index
    %get3A_722 = tpu.vector_load %arg18[%get3A_721] {strides = array<i32>} : memref<400xi32, #tpu.memory_space<vmem>>, vector<16xi32>,
    %slice3A_723 = vector.extract_strided_slice %get3A_722 {offsets = [15], sizes = [1], strides = [1]} : vector<16xi32> to vector<1xi32>
    %squeeze3A_724 = vector.extract %slice3A_723[0] : i32 from vector<1xi32>
    %broadcast_in_dim3A_725 = vector.broadcast %squeeze3A_720 : i32 to vector<16xi32>
    tpu.vector_store_idx %arg21[%iota3A, %broadcast_in_dim3A_725], %broadcast_in_dim3A_5 {add = true} : memref<16x16xf32, #tpu.memory_space<vmem>>[vector<16xi32>, vector<16xi32>], vector<16xf32>,
    %dma_wait3A_726 = arith.constant 0 : i32
    %dma_wait3A_727 = tpu.memref_slice %arg2[%add3A_598, %dma_wait3A_726] : memref<320000x128xf32, #tpu.memory_space<hbm>> -> memref<400x32xf32, #tpu.memory_space<hbm>>
    %dma_wait3A_728 = arith.constant 0 : i32
    %dma_wait3A_729 = tpu.memref_slice %arg2[%add3A_598, %dma_wait3A_728] : memref<320000x128xf32, #tpu.memory_space<hbm>> -> memref<400x32xf32, #tpu.memory_space<hbm>>
    tpu.wait_dma2 semaphore(%arg31 : memref<!tpu.dma_semaphore, #tpu.memory_space<semaphore_mem>>) src(%dma_wait3A_729 : memref<400x32xf32, #tpu.memory_space<hbm>>) dst(%arg11 : memref<400x32xf32, #tpu.memory_space<vmem>>)
    %dma_wait3A_730 = tpu.memref_slice %arg3[%add3A_598] : memref<320000xi32, #tpu.memory_space<hbm>> -> memref<400xi32, #tpu.memory_space<hbm>>
    %dma_wait3A_731 = tpu.memref_slice %arg3[%add3A_598] : memref<320000xi32, #tpu.memory_space<hbm>> -> memref<400xi32, #tpu.memory_space<hbm>>
    tpu.wait_dma2 semaphore(%arg31 : memref<!tpu.dma_semaphore, #tpu.memory_space<semaphore_mem>>) src(%dma_wait3A_731 : memref<400xi32, #tpu.memory_space<hbm>>) dst(%arg19 : memref<400xi32, #tpu.memory_space<vmem>>)
    %get3A_732 = arith.constant 0 : index
    %get3A_733 = tpu.vector_load %arg19[%get3A_732] {strides = array<i32>} : memref<400xi32, #tpu.memory_space<vmem>>, vector<16xi32>,
    %slice3A_734 = vector.extract_strided_slice %get3A_733 {offsets = [0], sizes = [1], strides = [1]} : vector<16xi32> to vector<1xi32>
    %squeeze3A_735 = vector.extract %slice3A_734[0] : i32 from vector<1xi32>
    %get3A_736 = arith.constant 384 : index
    %get3A_737 = tpu.vector_load %arg19[%get3A_736] {strides = array<i32>} : memref<400xi32, #tpu.memory_space<vmem>>, vector<16xi32>,
    %slice3A_738 = vector.extract_strided_slice %get3A_737 {offsets = [15], sizes = [1], strides = [1]} : vector<16xi32> to vector<1xi32>
    %squeeze3A_739 = vector.extract %slice3A_738[0] : i32 from vector<1xi32>
    %broadcast_in_dim3A_740 = vector.broadcast %squeeze3A_735 : i32 to vector<16xi32>
    tpu.vector_store_idx %arg21[%iota3A, %broadcast_in_dim3A_740], %broadcast_in_dim3A_5 {add = true} : memref<16x16xf32, #tpu.memory_space<vmem>>[vector<16xi32>, vector<16xi32>], vector<16xf32>,
    %dma_wait3A_741 = arith.constant 0 : i32
    %dma_wait3A_742 = tpu.memref_slice %arg2[%add3A_621, %dma_wait3A_741] : memref<320000x128xf32, #tpu.memory_space<hbm>> -> memref<400x32xf32, #tpu.memory_space<hbm>>
    %dma_wait3A_743 = arith.constant 0 : i32
    %dma_wait3A_744 = tpu.memref_slice %arg2[%add3A_621, %dma_wait3A_743] : memref<320000x128xf32, #tpu.memory_space<hbm>> -> memref<400x32xf32, #tpu.memory_space<hbm>>
    tpu.wait_dma2 semaphore(%arg32 : memref<!tpu.dma_semaphore, #tpu.memory_space<semaphore_mem>>) src(%dma_wait3A_744 : memref<400x32xf32, #tpu.memory_space<hbm>>) dst(%arg12 : memref<400x32xf32, #tpu.memory_space<vmem>>)
    %dma_wait3A_745 = tpu.memref_slice %arg3[%add3A_621] : memref<320000xi32, #tpu.memory_space<hbm>> -> memref<400xi32, #tpu.memory_space<hbm>>
    %dma_wait3A_746 = tpu.memref_slice %arg3[%add3A_621] : memref<320000xi32, #tpu.memory_space<hbm>> -> memref<400xi32, #tpu.memory_space<hbm>>
    tpu.wait_dma2 semaphore(%arg32 : memref<!tpu.dma_semaphore, #tpu.memory_space<semaphore_mem>>) src(%dma_wait3A_746 : memref<400xi32, #tpu.memory_space<hbm>>) dst(%arg20 : memref<400xi32, #tpu.memory_space<vmem>>)
    %get3A_747 = arith.constant 0 : index
    %get3A_748 = tpu.vector_load %arg20[%get3A_747] {strides = array<i32>} : memref<400xi32, #tpu.memory_space<vmem>>, vector<16xi32>,
    %slice3A_749 = vector.extract_strided_slice %get3A_748 {offsets = [0], sizes = [1], strides = [1]} : vector<16xi32> to vector<1xi32>
    %squeeze3A_750 = vector.extract %slice3A_749[0] : i32 from vector<1xi32>
    %get3A_751 = arith.constant 384 : index
    %get3A_752 = tpu.vector_load %arg20[%get3A_751] {strides = array<i32>} : memref<400xi32, #tpu.memory_space<vmem>>, vector<16xi32>,
    %slice3A_753 = vector.extract_strided_slice %get3A_752 {offsets = [15], sizes = [1], strides = [1]} : vector<16xi32> to vector<1xi32>
    %squeeze3A_754 = vector.extract %slice3A_753[0] : i32 from vector<1xi32>
    %broadcast_in_dim3A_755 = vector.broadcast %squeeze3A_750 : i32 to vector<16xi32>
    tpu.vector_store_idx %arg21[%iota3A, %broadcast_in_dim3A_755], %broadcast_in_dim3A_5 {add = true} : memref<16x16xf32, #tpu.memory_space<vmem>>[vector<16xi32>, vector<16xi32>], vector<16xf32>,
    %dma_wait3A_756 = arith.constant 0 : i32
    %dma_wait3A_757 = tpu.memref_slice %arg2[%add3A_644, %dma_wait3A_756] : memref<320000x128xf32, #tpu.memory_space<hbm>> -> memref<400x32xf32, #tpu.memory_space<hbm>>
    %dma_wait3A_758 = arith.constant 0 : i32
    %dma_wait3A_759 = tpu.memref_slice %arg2[%add3A_644, %dma_wait3A_758] : memref<320000x128xf32, #tpu.memory_space<hbm>> -> memref<400x32xf32, #tpu.memory_space<hbm>>
    tpu.wait_dma2 semaphore(%arg25 : memref<!tpu.dma_semaphore, #tpu.memory_space<semaphore_mem>>) src(%dma_wait3A_759 : memref<400x32xf32, #tpu.memory_space<hbm>>) dst(%arg5 : memref<400x32xf32, #tpu.memory_space<vmem>>)
    %dma_wait3A_760 = tpu.memref_slice %arg3[%add3A_644] : memref<320000xi32, #tpu.memory_space<hbm>> -> memref<400xi32, #tpu.memory_space<hbm>>
    %dma_wait3A_761 = tpu.memref_slice %arg3[%add3A_644] : memref<320000xi32, #tpu.memory_space<hbm>> -> memref<400xi32, #tpu.memory_space<hbm>>
    tpu.wait_dma2 semaphore(%arg25 : memref<!tpu.dma_semaphore, #tpu.memory_space<semaphore_mem>>) src(%dma_wait3A_761 : memref<400xi32, #tpu.memory_space<hbm>>) dst(%arg13 : memref<400xi32, #tpu.memory_space<vmem>>)
    %get3A_762 = arith.constant 0 : index
    %get3A_763 = tpu.vector_load %arg13[%get3A_762] {strides = array<i32>} : memref<400xi32, #tpu.memory_space<vmem>>, vector<16xi32>,
    %slice3A_764 = vector.extract_strided_slice %get3A_763 {offsets = [0], sizes = [1], strides = [1]} : vector<16xi32> to vector<1xi32>
    %squeeze3A_765 = vector.extract %slice3A_764[0] : i32 from vector<1xi32>
    %get3A_766 = arith.constant 384 : index
    %get3A_767 = tpu.vector_load %arg13[%get3A_766] {strides = array<i32>} : memref<400xi32, #tpu.memory_space<vmem>>, vector<16xi32>,
    %slice3A_768 = vector.extract_strided_slice %get3A_767 {offsets = [15], sizes = [1], strides = [1]} : vector<16xi32> to vector<1xi32>
    %squeeze3A_769 = vector.extract %slice3A_768[0] : i32 from vector<1xi32>
    %broadcast_in_dim3A_770 = vector.broadcast %squeeze3A_765 : i32 to vector<16xi32>
    tpu.vector_store_idx %arg21[%iota3A, %broadcast_in_dim3A_770], %broadcast_in_dim3A_5 {add = true} : memref<16x16xf32, #tpu.memory_space<vmem>>[vector<16xi32>, vector<16xi32>], vector<16xf32>,
    %get3A_771 = arith.constant 0 : i32
    %get3A_772 = arith.index_cast %get3A_771 : i32 to index
    %get3A_773 = arith.constant 0 : index
    %get3A_774 = tpu.vector_load %arg21[%get3A_772, %get3A_773] {strides = array<i32>} : memref<16x16xf32, #tpu.memory_space<vmem>>, vector<16xf32>,
    %add3A_775 = arith.addf %broadcast_in_dim3A_5, %get3A_774 : vector<16xf32>
    %get3A_776 = arith.constant 0 : i32
    %get3A_777 = arith.index_cast %get3A_776 : i32 to index
    %get3A_778 = arith.constant 0 : index
    %get3A_779 = tpu.vector_load %arg22[%get3A_777, %get3A_778] {strides = array<i32>} : memref<16x16xf32, #tpu.memory_space<vmem>>, vector<16xf32>,
    %add3A_780 = arith.addf %broadcast_in_dim3A_5, %get3A_779 : vector<16xf32>
    %get3A_781 = arith.constant 0 : i32
    %get3A_782 = arith.index_cast %get3A_781 : i32 to index
    %get3A_783 = arith.constant 0 : index
    %get3A_784 = tpu.vector_load %arg23[%get3A_782, %get3A_783] {strides = array<i32>} : memref<16x16xf32, #tpu.memory_space<vmem>>, vector<16xf32>,
    %add3A_785 = arith.addf %broadcast_in_dim3A_5, %get3A_784 : vector<16xf32>
    %get3A_786 = arith.constant 1 : i32
    %get3A_787 = arith.index_cast %get3A_786 : i32 to index
    %get3A_788 = arith.constant 0 : index
    %get3A_789 = tpu.vector_load %arg21[%get3A_787, %get3A_788] {strides = array<i32>} : memref<16x16xf32, #tpu.memory_space<vmem>>, vector<16xf32>,
    %add3A_790 = arith.addf %add3A_775, %get3A_789 : vector<16xf32>
    %get3A_791 = arith.constant 1 : i32
    %get3A_792 = arith.index_cast %get3A_791 : i32 to index
    %get3A_793 = arith.constant 0 : index
    %get3A_794 = tpu.vector_load %arg22[%get3A_792, %get3A_793] {strides = array<i32>} : memref<16x16xf32, #tpu.memory_space<vmem>>, vector<16xf32>,
    %add3A_795 = arith.addf %add3A_780, %get3A_794 : vector<16xf32>
    %get3A_796 = arith.constant 1 : i32
    %get3A_797 = arith.index_cast %get3A_796 : i32 to index
    %get3A_798 = arith.constant 0 : index
    %get3A_799 = tpu.vector_load %arg23[%get3A_797, %get3A_798] {strides = array<i32>} : memref<16x16xf32, #tpu.memory_space<vmem>>, vector<16xf32>,
    %add3A_800 = arith.addf %add3A_785, %get3A_799 : vector<16xf32>
    %get3A_801 = arith.constant 2 : i32
    %get3A_802 = arith.index_cast %get3A_801 : i32 to index
    %get3A_803 = arith.constant 0 : index
    %get3A_804 = tpu.vector_load %arg21[%get3A_802, %get3A_803] {strides = array<i32>} : memref<16x16xf32, #tpu.memory_space<vmem>>, vector<16xf32>,
    %add3A_805 = arith.addf %add3A_790, %get3A_804 : vector<16xf32>
    %get3A_806 = arith.constant 2 : i32
    %get3A_807 = arith.index_cast %get3A_806 : i32 to index
    %get3A_808 = arith.constant 0 : index
    %get3A_809 = tpu.vector_load %arg22[%get3A_807, %get3A_808] {strides = array<i32>} : memref<16x16xf32, #tpu.memory_space<vmem>>, vector<16xf32>,
    %add3A_810 = arith.addf %add3A_795, %get3A_809 : vector<16xf32>
    %get3A_811 = arith.constant 2 : i32
    %get3A_812 = arith.index_cast %get3A_811 : i32 to index
    %get3A_813 = arith.constant 0 : index
    %get3A_814 = tpu.vector_load %arg23[%get3A_812, %get3A_813] {strides = array<i32>} : memref<16x16xf32, #tpu.memory_space<vmem>>, vector<16xf32>,
    %add3A_815 = arith.addf %add3A_800, %get3A_814 : vector<16xf32>
    %get3A_816 = arith.constant 3 : i32
    %get3A_817 = arith.index_cast %get3A_816 : i32 to index
    %get3A_818 = arith.constant 0 : index
    %get3A_819 = tpu.vector_load %arg21[%get3A_817, %get3A_818] {strides = array<i32>} : memref<16x16xf32, #tpu.memory_space<vmem>>, vector<16xf32>,
    %add3A_820 = arith.addf %add3A_805, %get3A_819 : vector<16xf32>
    %get3A_821 = arith.constant 3 : i32
    %get3A_822 = arith.index_cast %get3A_821 : i32 to index
    %get3A_823 = arith.constant 0 : index
    %get3A_824 = tpu.vector_load %arg22[%get3A_822, %get3A_823] {strides = array<i32>} : memref<16x16xf32, #tpu.memory_space<vmem>>, vector<16xf32>,
    %add3A_825 = arith.addf %add3A_810, %get3A_824 : vector<16xf32>
    %get3A_826 = arith.constant 3 : i32
    %get3A_827 = arith.index_cast %get3A_826 : i32 to index
    %get3A_828 = arith.constant 0 : index
    %get3A_829 = tpu.vector_load %arg23[%get3A_827, %get3A_828] {strides = array<i32>} : memref<16x16xf32, #tpu.memory_space<vmem>>, vector<16xf32>,
    %add3A_830 = arith.addf %add3A_815, %get3A_829 : vector<16xf32>
    %get3A_831 = arith.constant 4 : i32
    %get3A_832 = arith.index_cast %get3A_831 : i32 to index
    %get3A_833 = arith.constant 0 : index
    %get3A_834 = tpu.vector_load %arg21[%get3A_832, %get3A_833] {strides = array<i32>} : memref<16x16xf32, #tpu.memory_space<vmem>>, vector<16xf32>,
    %add3A_835 = arith.addf %add3A_820, %get3A_834 : vector<16xf32>
    %get3A_836 = arith.constant 4 : i32
    %get3A_837 = arith.index_cast %get3A_836 : i32 to index
    %get3A_838 = arith.constant 0 : index
    %get3A_839 = tpu.vector_load %arg22[%get3A_837, %get3A_838] {strides = array<i32>} : memref<16x16xf32, #tpu.memory_space<vmem>>, vector<16xf32>,
    %add3A_840 = arith.addf %add3A_825, %get3A_839 : vector<16xf32>
    %get3A_841 = arith.constant 4 : i32
    %get3A_842 = arith.index_cast %get3A_841 : i32 to index
    %get3A_843 = arith.constant 0 : index
    %get3A_844 = tpu.vector_load %arg23[%get3A_842, %get3A_843] {strides = array<i32>} : memref<16x16xf32, #tpu.memory_space<vmem>>, vector<16xf32>,
    %add3A_845 = arith.addf %add3A_830, %get3A_844 : vector<16xf32>
    %get3A_846 = arith.constant 5 : i32
    %get3A_847 = arith.index_cast %get3A_846 : i32 to index
    %get3A_848 = arith.constant 0 : index
    %get3A_849 = tpu.vector_load %arg21[%get3A_847, %get3A_848] {strides = array<i32>} : memref<16x16xf32, #tpu.memory_space<vmem>>, vector<16xf32>,
    %add3A_850 = arith.addf %add3A_835, %get3A_849 : vector<16xf32>
    %get3A_851 = arith.constant 5 : i32
    %get3A_852 = arith.index_cast %get3A_851 : i32 to index
    %get3A_853 = arith.constant 0 : index
    %get3A_854 = tpu.vector_load %arg22[%get3A_852, %get3A_853] {strides = array<i32>} : memref<16x16xf32, #tpu.memory_space<vmem>>, vector<16xf32>,
    %add3A_855 = arith.addf %add3A_840, %get3A_854 : vector<16xf32>
    %get3A_856 = arith.constant 5 : i32
    %get3A_857 = arith.index_cast %get3A_856 : i32 to index
    %get3A_858 = arith.constant 0 : index
    %get3A_859 = tpu.vector_load %arg23[%get3A_857, %get3A_858] {strides = array<i32>} : memref<16x16xf32, #tpu.memory_space<vmem>>, vector<16xf32>,
    %add3A_860 = arith.addf %add3A_845, %get3A_859 : vector<16xf32>
    %get3A_861 = arith.constant 6 : i32
    %get3A_862 = arith.index_cast %get3A_861 : i32 to index
    %get3A_863 = arith.constant 0 : index
    %get3A_864 = tpu.vector_load %arg21[%get3A_862, %get3A_863] {strides = array<i32>} : memref<16x16xf32, #tpu.memory_space<vmem>>, vector<16xf32>,
    %add3A_865 = arith.addf %add3A_850, %get3A_864 : vector<16xf32>
    %get3A_866 = arith.constant 6 : i32
    %get3A_867 = arith.index_cast %get3A_866 : i32 to index
    %get3A_868 = arith.constant 0 : index
    %get3A_869 = tpu.vector_load %arg22[%get3A_867, %get3A_868] {strides = array<i32>} : memref<16x16xf32, #tpu.memory_space<vmem>>, vector<16xf32>,
    %add3A_870 = arith.addf %add3A_855, %get3A_869 : vector<16xf32>
    %get3A_871 = arith.constant 6 : i32
    %get3A_872 = arith.index_cast %get3A_871 : i32 to index
    %get3A_873 = arith.constant 0 : index
    %get3A_874 = tpu.vector_load %arg23[%get3A_872, %get3A_873] {strides = array<i32>} : memref<16x16xf32, #tpu.memory_space<vmem>>, vector<16xf32>,
    %add3A_875 = arith.addf %add3A_860, %get3A_874 : vector<16xf32>
    %get3A_876 = arith.constant 7 : i32
    %get3A_877 = arith.index_cast %get3A_876 : i32 to index
    %get3A_878 = arith.constant 0 : index
    %get3A_879 = tpu.vector_load %arg21[%get3A_877, %get3A_878] {strides = array<i32>} : memref<16x16xf32, #tpu.memory_space<vmem>>, vector<16xf32>,
    %add3A_880 = arith.addf %add3A_865, %get3A_879 : vector<16xf32>
    %get3A_881 = arith.constant 7 : i32
    %get3A_882 = arith.index_cast %get3A_881 : i32 to index
    %get3A_883 = arith.constant 0 : index
    %get3A_884 = tpu.vector_load %arg22[%get3A_882, %get3A_883] {strides = array<i32>} : memref<16x16xf32, #tpu.memory_space<vmem>>, vector<16xf32>,
    %add3A_885 = arith.addf %add3A_870, %get3A_884 : vector<16xf32>
    %get3A_886 = arith.constant 7 : i32
    %get3A_887 = arith.index_cast %get3A_886 : i32 to index
    %get3A_888 = arith.constant 0 : index
    %get3A_889 = tpu.vector_load %arg23[%get3A_887, %get3A_888] {strides = array<i32>} : memref<16x16xf32, #tpu.memory_space<vmem>>, vector<16xf32>,
    %add3A_890 = arith.addf %add3A_875, %get3A_889 : vector<16xf32>
    %get3A_891 = arith.constant 8 : i32
    %get3A_892 = arith.index_cast %get3A_891 : i32 to index
    %get3A_893 = arith.constant 0 : index
    %get3A_894 = tpu.vector_load %arg21[%get3A_892, %get3A_893] {strides = array<i32>} : memref<16x16xf32, #tpu.memory_space<vmem>>, vector<16xf32>,
    %add3A_895 = arith.addf %add3A_880, %get3A_894 : vector<16xf32>
    %get3A_896 = arith.constant 8 : i32
    %get3A_897 = arith.index_cast %get3A_896 : i32 to index
    %get3A_898 = arith.constant 0 : index
    %get3A_899 = tpu.vector_load %arg22[%get3A_897, %get3A_898] {strides = array<i32>} : memref<16x16xf32, #tpu.memory_space<vmem>>, vector<16xf32>,
    %add3A_900 = arith.addf %add3A_885, %get3A_899 : vector<16xf32>
    %get3A_901 = arith.constant 8 : i32
    %get3A_902 = arith.index_cast %get3A_901 : i32 to index
    %get3A_903 = arith.constant 0 : index
    %get3A_904 = tpu.vector_load %arg23[%get3A_902, %get3A_903] {strides = array<i32>} : memref<16x16xf32, #tpu.memory_space<vmem>>, vector<16xf32>,
    %add3A_905 = arith.addf %add3A_890, %get3A_904 : vector<16xf32>
    %get3A_906 = arith.constant 9 : i32
    %get3A_907 = arith.index_cast %get3A_906 : i32 to index
    %get3A_908 = arith.constant 0 : index
    %get3A_909 = tpu.vector_load %arg21[%get3A_907, %get3A_908] {strides = array<i32>} : memref<16x16xf32, #tpu.memory_space<vmem>>, vector<16xf32>,
    %add3A_910 = arith.addf %add3A_895, %get3A_909 : vector<16xf32>
    %get3A_911 = arith.constant 9 : i32
    %get3A_912 = arith.index_cast %get3A_911 : i32 to index
    %get3A_913 = arith.constant 0 : index
    %get3A_914 = tpu.vector_load %arg22[%get3A_912, %get3A_913] {strides = array<i32>} : memref<16x16xf32, #tpu.memory_space<vmem>>, vector<16xf32>,
    %add3A_915 = arith.addf %add3A_900, %get3A_914 : vector<16xf32>
    %get3A_916 = arith.constant 9 : i32
    %get3A_917 = arith.index_cast %get3A_916 : i32 to index
    %get3A_918 = arith.constant 0 : index
    %get3A_919 = tpu.vector_load %arg23[%get3A_917, %get3A_918] {strides = array<i32>} : memref<16x16xf32, #tpu.memory_space<vmem>>, vector<16xf32>,
    %add3A_920 = arith.addf %add3A_905, %get3A_919 : vector<16xf32>
    %get3A_921 = arith.constant 10 : i32
    %get3A_922 = arith.index_cast %get3A_921 : i32 to index
    %get3A_923 = arith.constant 0 : index
    %get3A_924 = tpu.vector_load %arg21[%get3A_922, %get3A_923] {strides = array<i32>} : memref<16x16xf32, #tpu.memory_space<vmem>>, vector<16xf32>,
    %add3A_925 = arith.addf %add3A_910, %get3A_924 : vector<16xf32>
    %get3A_926 = arith.constant 10 : i32
    %get3A_927 = arith.index_cast %get3A_926 : i32 to index
    %get3A_928 = arith.constant 0 : index
    %get3A_929 = tpu.vector_load %arg22[%get3A_927, %get3A_928] {strides = array<i32>} : memref<16x16xf32, #tpu.memory_space<vmem>>, vector<16xf32>,
    %add3A_930 = arith.addf %add3A_915, %get3A_929 : vector<16xf32>
    %get3A_931 = arith.constant 10 : i32
    %get3A_932 = arith.index_cast %get3A_931 : i32 to index
    %get3A_933 = arith.constant 0 : index
    %get3A_934 = tpu.vector_load %arg23[%get3A_932, %get3A_933] {strides = array<i32>} : memref<16x16xf32, #tpu.memory_space<vmem>>, vector<16xf32>,
    %add3A_935 = arith.addf %add3A_920, %get3A_934 : vector<16xf32>
    %get3A_936 = arith.constant 11 : i32
    %get3A_937 = arith.index_cast %get3A_936 : i32 to index
    %get3A_938 = arith.constant 0 : index
    %get3A_939 = tpu.vector_load %arg21[%get3A_937, %get3A_938] {strides = array<i32>} : memref<16x16xf32, #tpu.memory_space<vmem>>, vector<16xf32>,
    %add3A_940 = arith.addf %add3A_925, %get3A_939 : vector<16xf32>
    %get3A_941 = arith.constant 11 : i32
    %get3A_942 = arith.index_cast %get3A_941 : i32 to index
    %get3A_943 = arith.constant 0 : index
    %get3A_944 = tpu.vector_load %arg22[%get3A_942, %get3A_943] {strides = array<i32>} : memref<16x16xf32, #tpu.memory_space<vmem>>, vector<16xf32>,
    %add3A_945 = arith.addf %add3A_930, %get3A_944 : vector<16xf32>
    %get3A_946 = arith.constant 11 : i32
    %get3A_947 = arith.index_cast %get3A_946 : i32 to index
    %get3A_948 = arith.constant 0 : index
    %get3A_949 = tpu.vector_load %arg23[%get3A_947, %get3A_948] {strides = array<i32>} : memref<16x16xf32, #tpu.memory_space<vmem>>, vector<16xf32>,
    %add3A_950 = arith.addf %add3A_935, %get3A_949 : vector<16xf32>
    %get3A_951 = arith.constant 12 : i32
    %get3A_952 = arith.index_cast %get3A_951 : i32 to index
    %get3A_953 = arith.constant 0 : index
    %get3A_954 = tpu.vector_load %arg21[%get3A_952, %get3A_953] {strides = array<i32>} : memref<16x16xf32, #tpu.memory_space<vmem>>, vector<16xf32>,
    %add3A_955 = arith.addf %add3A_940, %get3A_954 : vector<16xf32>
    %get3A_956 = arith.constant 12 : i32
    %get3A_957 = arith.index_cast %get3A_956 : i32 to index
    %get3A_958 = arith.constant 0 : index
    %get3A_959 = tpu.vector_load %arg22[%get3A_957, %get3A_958] {strides = array<i32>} : memref<16x16xf32, #tpu.memory_space<vmem>>, vector<16xf32>,
    %add3A_960 = arith.addf %add3A_945, %get3A_959 : vector<16xf32>
    %get3A_961 = arith.constant 12 : i32
    %get3A_962 = arith.index_cast %get3A_961 : i32 to index
    %get3A_963 = arith.constant 0 : index
    %get3A_964 = tpu.vector_load %arg23[%get3A_962, %get3A_963] {strides = array<i32>} : memref<16x16xf32, #tpu.memory_space<vmem>>, vector<16xf32>,
    %add3A_965 = arith.addf %add3A_950, %get3A_964 : vector<16xf32>
    %get3A_966 = arith.constant 13 : i32
    %get3A_967 = arith.index_cast %get3A_966 : i32 to index
    %get3A_968 = arith.constant 0 : index
    %get3A_969 = tpu.vector_load %arg21[%get3A_967, %get3A_968] {strides = array<i32>} : memref<16x16xf32, #tpu.memory_space<vmem>>, vector<16xf32>,
    %add3A_970 = arith.addf %add3A_955, %get3A_969 : vector<16xf32>
    %get3A_971 = arith.constant 13 : i32
    %get3A_972 = arith.index_cast %get3A_971 : i32 to index
    %get3A_973 = arith.constant 0 : index
    %get3A_974 = tpu.vector_load %arg22[%get3A_972, %get3A_973] {strides = array<i32>} : memref<16x16xf32, #tpu.memory_space<vmem>>, vector<16xf32>,
    %add3A_975 = arith.addf %add3A_960, %get3A_974 : vector<16xf32>
    %get3A_976 = arith.constant 13 : i32
    %get3A_977 = arith.index_cast %get3A_976 : i32 to index
    %get3A_978 = arith.constant 0 : index
    %get3A_979 = tpu.vector_load %arg23[%get3A_977, %get3A_978] {strides = array<i32>} : memref<16x16xf32, #tpu.memory_space<vmem>>, vector<16xf32>,
    %add3A_980 = arith.addf %add3A_965, %get3A_979 : vector<16xf32>
    %get3A_981 = arith.constant 14 : i32
    %get3A_982 = arith.index_cast %get3A_981 : i32 to index
    %get3A_983 = arith.constant 0 : index
    %get3A_984 = tpu.vector_load %arg21[%get3A_982, %get3A_983] {strides = array<i32>} : memref<16x16xf32, #tpu.memory_space<vmem>>, vector<16xf32>,
    %add3A_985 = arith.addf %add3A_970, %get3A_984 : vector<16xf32>
    %get3A_986 = arith.constant 14 : i32
    %get3A_987 = arith.index_cast %get3A_986 : i32 to index
    %get3A_988 = arith.constant 0 : index
    %get3A_989 = tpu.vector_load %arg22[%get3A_987, %get3A_988] {strides = array<i32>} : memref<16x16xf32, #tpu.memory_space<vmem>>, vector<16xf32>,
    %add3A_990 = arith.addf %add3A_975, %get3A_989 : vector<16xf32>
    %get3A_991 = arith.constant 14 : i32
    %get3A_992 = arith.index_cast %get3A_991 : i32 to index
    %get3A_993 = arith.constant 0 : index
    %get3A_994 = tpu.vector_load %arg23[%get3A_992, %get3A_993] {strides = array<i32>} : memref<16x16xf32, #tpu.memory_space<vmem>>, vector<16xf32>,
    %add3A_995 = arith.addf %add3A_980, %get3A_994 : vector<16xf32>
    %get3A_996 = arith.constant 15 : i32
    %get3A_997 = arith.index_cast %get3A_996 : i32 to index
    %get3A_998 = arith.constant 0 : index
    %get3A_999 = tpu.vector_load %arg21[%get3A_997, %get3A_998] {strides = array<i32>} : memref<16x16xf32, #tpu.memory_space<vmem>>, vector<16xf32>,
    %add3A_1000 = arith.addf %add3A_985, %get3A_999 : vector<16xf32>
    %get3A_1001 = arith.constant 15 : i32
    %get3A_1002 = arith.index_cast %get3A_1001 : i32 to index
    %get3A_1003 = arith.constant 0 : index
    %get3A_1004 = tpu.vector_load %arg22[%get3A_1002, %get3A_1003] {strides = array<i32>} : memref<16x16xf32, #tpu.memory_space<vmem>>, vector<16xf32>,
    %add3A_1005 = arith.addf %add3A_990, %get3A_1004 : vector<16xf32>
    %get3A_1006 = arith.constant 15 : i32
    %get3A_1007 = arith.index_cast %get3A_1006 : i32 to index
    %get3A_1008 = arith.constant 0 : index
    %get3A_1009 = tpu.vector_load %arg23[%get3A_1007, %get3A_1008] {strides = array<i32>} : memref<16x16xf32, #tpu.memory_space<vmem>>, vector<16xf32>,
    %add3A_1010 = arith.addf %add3A_995, %get3A_1009 : vector<16xf32>
    %swap3A_1011 = arith.constant 0 : index
    %swap3A_1012 = tpu.vector_load %arg24[%swap3A_1011] {strides = array<i32>} : memref<48xf32, #tpu.memory_space<vmem>>, vector<16xf32>,
    tpu.vector_store %arg24[%swap3A_1011], %add3A_1010 {strides = array<i32>} : memref<48xf32, #tpu.memory_space<vmem>>, vector<16xf32>,
    %swap3A_1013 = arith.constant 16 : index
    %swap3A_1014 = tpu.vector_load %arg24[%swap3A_1013] {strides = array<i32>} : memref<48xf32, #tpu.memory_space<vmem>>, vector<16xf32>,
    tpu.vector_store %arg24[%swap3A_1013], %add3A_1000 {strides = array<i32>} : memref<48xf32, #tpu.memory_space<vmem>>, vector<16xf32>,
    %swap3A_1015 = arith.constant 32 : index
    %swap3A_1016 = tpu.vector_load %arg24[%swap3A_1015] {strides = array<i32>} : memref<48xf32, #tpu.memory_space<vmem>>, vector<16xf32>,
    tpu.vector_store %arg24[%swap3A_1015], %add3A_1005 {strides = array<i32>} : memref<48xf32, #tpu.memory_space<vmem>>, vector<16xf32>,
    "tpu.region"() ({
      %run_scoped3A = tpu.sem_alloc : memref<!tpu.dma_semaphore, #tpu.memory_space<semaphore_mem>>
      %dma_start3A_1017 = arith.constant 0 : i32
      %dma_start3A_1018 = tpu.memref_slice %arg4[%add3A, %dma_start3A_1017] : memref<32x48xf32, #tpu.memory_space<hbm>> -> memref<1x48xf32, #tpu.memory_space<hbm>>
      %dma_start3A_1019 = tpu.memref_squeeze %dma_start3A_1018 : memref<1x48xf32, #tpu.memory_space<hbm>> -> memref<48xf32, #tpu.memory_space<hbm>>
      %dma_start3A_1020 = arith.constant 0 : i32
      %dma_start3A_1021 = tpu.memref_slice %arg4[%add3A, %dma_start3A_1020] : memref<32x48xf32, #tpu.memory_space<hbm>> -> memref<1x48xf32, #tpu.memory_space<hbm>>
      %dma_start3A_1022 = tpu.memref_squeeze %dma_start3A_1021 : memref<1x48xf32, #tpu.memory_space<hbm>> -> memref<48xf32, #tpu.memory_space<hbm>>
      tpu.enqueue_dma source(%arg24 : memref<48xf32, #tpu.memory_space<vmem>>) target(%dma_start3A_1022 : memref<48xf32, #tpu.memory_space<hbm>>) target_semaphore(%run_scoped3A : memref<!tpu.dma_semaphore, #tpu.memory_space<semaphore_mem>>)
      %dma_wait3A_1023 = arith.constant 0 : i32
      %dma_wait3A_1024 = tpu.memref_slice %arg4[%add3A, %dma_wait3A_1023] : memref<32x48xf32, #tpu.memory_space<hbm>> -> memref<1x48xf32, #tpu.memory_space<hbm>>
      %dma_wait3A_1025 = tpu.memref_squeeze %dma_wait3A_1024 : memref<1x48xf32, #tpu.memory_space<hbm>> -> memref<48xf32, #tpu.memory_space<hbm>>
      %dma_wait3A_1026 = arith.constant 0 : i32
      %dma_wait3A_1027 = tpu.memref_slice %arg4[%add3A, %dma_wait3A_1026] : memref<32x48xf32, #tpu.memory_space<hbm>> -> memref<1x48xf32, #tpu.memory_space<hbm>>
      %dma_wait3A_1028 = tpu.memref_squeeze %dma_wait3A_1027 : memref<1x48xf32, #tpu.memory_space<hbm>> -> memref<48xf32, #tpu.memory_space<hbm>>
      tpu.wait_dma2 semaphore(%run_scoped3A : memref<!tpu.dma_semaphore, #tpu.memory_space<semaphore_mem>>) src(%arg24 : memref<48xf32, #tpu.memory_space<vmem>>) dst(%dma_wait3A_1028 : memref<48xf32, #tpu.memory_space<hbm>>)
      tpu.yield
    }) : () -> ()
    return
  }
}

module attributes {stable_mosaic.version = 14 : i64} {
  func.func @_mlp_kernel(%arg0: memref<32x48xf32, #tpu.memory_space<vmem>>, %arg1: memref<64x2xf32, #tpu.memory_space<vmem>>, %arg2: memref<64x1xf32, #tpu.memory_space<vmem>>, %arg3: memref<64x1xf32, #tpu.memory_space<vmem>>, %arg4: memref<1x1xf32, #tpu.memory_space<vmem>>, %arg5: memref<1x16xf32, #tpu.memory_space<vmem>>) attributes {dimension_semantics = [], scalar_prefetch = 0 : i64, scratch_operands = 0 : i64, tpu.core_type = #tpu.core_type<tc>} {
    %get3A = arith.constant 0 : index
    %get3A_0 = arith.constant 0 : index
    %get3A_1 = vector.load %arg0[%get3A, %get3A_0] : memref<32x48xf32, #tpu.memory_space<vmem>>, vector<32x48xf32>
    %reduce_sum3A = arith.constant dense<0.000000e+00> : vector<48xf32>
    %reduce_sum3A_2 = vector.multi_reduction <add>, %get3A_1, %reduce_sum3A [0] : vector<32x48xf32> to vector<48xf32>
    %broadcast_in_dim3A = vector.shape_cast %reduce_sum3A_2 : vector<48xf32> to vector<1x48xf32>
    %slice3A = vector.extract_strided_slice %broadcast_in_dim3A {offsets = [0, 0], sizes = [1, 16], strides = [1, 1]} : vector<1x48xf32> to vector<1x16xf32>
    %slice3A_3 = vector.extract_strided_slice %broadcast_in_dim3A {offsets = [0, 16], sizes = [1, 16], strides = [1, 1]} : vector<1x48xf32> to vector<1x16xf32>
    %slice3A_4 = vector.extract_strided_slice %broadcast_in_dim3A {offsets = [0, 32], sizes = [1, 16], strides = [1, 1]} : vector<1x48xf32> to vector<1x16xf32>
    %max3A = arith.constant 1.000000e+00 : f32
    %max3A_5 = vector.broadcast %max3A : f32 to vector<1x16xf32>
    %max3A_6 = arith.maximumf %slice3A, %max3A_5 : vector<1x16xf32>
    %div3A = arith.divf %slice3A_4, %max3A_6 : vector<1x16xf32>
    %sub3A = arith.constant 1.000000e+00 : f32
    %sub3A_7 = vector.broadcast %sub3A : f32 to vector<1x16xf32>
    %sub3A_8 = arith.subf %sub3A_7, %div3A : vector<1x16xf32>
    %div3A_9 = arith.divf %slice3A_3, %max3A_6 : vector<1x16xf32>
    %get3A_10 = arith.constant 0 : index
    %get3A_11 = arith.constant 0 : index
    %get3A_12 = vector.load %arg1[%get3A_10, %get3A_11] : memref<64x2xf32, #tpu.memory_space<vmem>>, vector<64x1xf32>
    %mul3A = vector.broadcast %get3A_12 : vector<64x1xf32> to vector<64x16xf32>
    %mul3A_13 = vector.broadcast %sub3A_8 : vector<1x16xf32> to vector<64x16xf32>
    %mul3A_14 = arith.mulf %mul3A, %mul3A_13 : vector<64x16xf32>
    %get3A_15 = arith.constant 0 : index
    %get3A_16 = arith.constant 1 : index
    %get3A_17 = vector.load %arg1[%get3A_15, %get3A_16] : memref<64x2xf32, #tpu.memory_space<vmem>>, vector<64x1xf32>
    %mul3A_18 = vector.broadcast %get3A_17 : vector<64x1xf32> to vector<64x16xf32>
    %mul3A_19 = vector.broadcast %div3A_9 : vector<1x16xf32> to vector<64x16xf32>
    %mul3A_20 = arith.mulf %mul3A_18, %mul3A_19 : vector<64x16xf32>
    %add3A = arith.addf %mul3A_14, %mul3A_20 : vector<64x16xf32>
    %get3A_21 = arith.constant 0 : index
    %get3A_22 = arith.constant 0 : index
    %get3A_23 = vector.load %arg2[%get3A_21, %get3A_22] : memref<64x1xf32, #tpu.memory_space<vmem>>, vector<64x1xf32>
    %add3A_24 = vector.broadcast %get3A_23 : vector<64x1xf32> to vector<64x16xf32>
    %add3A_25 = arith.addf %add3A, %add3A_24 : vector<64x16xf32>
    %max3A_26 = arith.constant 0.000000e+00 : f32
    %max3A_27 = vector.broadcast %max3A_26 : f32 to vector<64x16xf32>
    %max3A_28 = arith.maximumf %add3A_25, %max3A_27 : vector<64x16xf32>
    %get3A_29 = arith.constant 0 : index
    %get3A_30 = arith.constant 0 : index
    %get3A_31 = vector.load %arg3[%get3A_29, %get3A_30] : memref<64x1xf32, #tpu.memory_space<vmem>>, vector<64x1xf32>
    %mul3A_32 = vector.broadcast %get3A_31 : vector<64x1xf32> to vector<64x16xf32>
    %mul3A_33 = arith.mulf %mul3A_32, %max3A_28 : vector<64x16xf32>
    %reduce_sum3A_34 = arith.constant dense<0.000000e+00> : vector<16xf32>
    %reduce_sum3A_35 = vector.multi_reduction <add>, %mul3A_33, %reduce_sum3A_34 [0] : vector<64x16xf32> to vector<16xf32>
    %broadcast_in_dim3A_36 = vector.shape_cast %reduce_sum3A_35 : vector<16xf32> to vector<1x16xf32>
    %get3A_37 = arith.constant 0 : index
    %get3A_38 = arith.constant 0 : index
    %get3A_39 = vector.load %arg4[%get3A_37, %get3A_38] : memref<1x1xf32, #tpu.memory_space<vmem>>, vector<1x1xf32>
    %add3A_40 = vector.broadcast %get3A_39 : vector<1x1xf32> to vector<1x16xf32>
    %add3A_41 = arith.addf %broadcast_in_dim3A_36, %add3A_40 : vector<1x16xf32>
    %neg3A = arith.constant 0.000000e+00 : f32
    %neg3A_42 = vector.broadcast %neg3A : f32 to vector<1x16xf32>
    %neg3A_43 = arith.subf %neg3A_42, %add3A_41 : vector<1x16xf32>
    %exp3A = math.exp %neg3A_43 : vector<1x16xf32>
    %add3A_44 = arith.constant 1.000000e+00 : f32
    %add3A_45 = vector.broadcast %add3A_44 : f32 to vector<1x16xf32>
    %add3A_46 = arith.addf %add3A_45, %exp3A : vector<1x16xf32>
    %div3A_47 = arith.constant 1.000000e+00 : f32
    %div3A_48 = vector.broadcast %div3A_47 : f32 to vector<1x16xf32>
    %div3A_49 = arith.divf %div3A_48, %add3A_46 : vector<1x16xf32>
    %gt3A = arith.constant 0.000000e+00 : f32
    %gt3A_50 = vector.broadcast %gt3A : f32 to vector<1x16xf32>
    %gt3A_51 = arith.cmpf ogt, %slice3A, %gt3A_50 : vector<1x16xf32>
    %jit3A = arith.constant 0.000000e+00 : f32
    %broadcast_in_dim3A_52 = vector.broadcast %jit3A : f32 to vector<1x16xf32>
    %select_n3A = arith.select %gt3A_51, %div3A_49, %broadcast_in_dim3A_52 : vector<1x16xi1>, vector<1x16xf32>
    %swap3A = arith.constant 0 : index
    %swap3A_53 = arith.constant 0 : index
    %swap3A_54 = vector.load %arg5[%swap3A, %swap3A_53] : memref<1x16xf32, #tpu.memory_space<vmem>>, vector<1x16xf32>
    tpu.vector_store %arg5[%swap3A, %swap3A_53], %select_n3A {strides = array<i32>} : memref<1x16xf32, #tpu.memory_space<vmem>>, vector<1x16xf32>,
    return
  }
}

</mosaic_0001>

<sc_bundles>
// kernel: kernel.4.cloned.1.call-start
scs
__scs_entry_jumppad:
0x0: {  	(pc) =	sbr.rel $0x88, $3  }
0x1: {  	(tag) =	ssettag $0x0;
	lr =	simm.s32 $0x1  }
0x2: {  	[smem:$0x3F9B] =	sst lr;
	_ =	strace $0xD0000000  }
0x3: {  	_ = 	snop  }
0x4: {  	_ = 	snop  }
0x5: {  	_ = 	snop  }
0x6: {  	_ = 	snop  }
0x7: {  	_ = 	snop  }
__scs_overlays_trampoline_lowered:
0x8: {  	[smem:$0x3FAA] =	sst s0  }
0x9: {  	[smem:$0x3FAB] =	sst s1  }
0xa: {  	[smem:$0x3FAC] =	sst s2  }
0xb: {  	[smem:$0x3FAD] =	sst s3  }
0xc: {  	[smem:$0x3FAE] =	sst s4  }
0xd: {  	[smem:$0x3FAF] =	sst s5  }
0xe: {  	[smem:$0x3FB0] =	sst s6  }
0xf: {  	[smem:$0x3FB1] =	sst s7  }
0x10: {  	[smem:$0x3FB2] =	sst s8  }
0x11: {  	[smem:$0x3FB3] =	sst s9;
	s0 =	simm.s32 @!p0 $0x0  }
0x12: {  	s1 =	sld [smem:$0x3F99];
	s0 =	simm.s32 @p0 $0x1  }
0x13: {  	[smem:$0x3FB4] =	sst s0;
	s0 =	simm.s32 @!p1 $0x0  }
0x14: {  	s2 =	sld [smem:$0x3F98];
	s0 =	simm.s32 @p1 $0x1  }
0x15: {  	[smem:$0x3FB5] =	sst s0;
	s0 =	simm.s32 @!p2 $0x0  }
0x16: {  	s3 =	sld [smem:$0x3FDB];
	s0 =	simm.s32 @p2 $0x1  }
0x17: {  	s4 =	simm.s32 $0x1BF5;
	[smem:$0x3FB7] =	sst s0  }
0x18: {  	s0 =	sld [smem:$0x3F9A];
	_ =	swait.ge [sflag:s4], $0x0  }
0x19: {  	s7 =	sld [smem:$0x3F9B]  }
0x1a: {  	s8 =	sadd.s32 $0xFFFFE003, lr  }
0x1b: {  	s9 =	sadd.s32 $0xFFFFFEF7, lr;
	s5 =	simm.s32 $0xFFFFFFFF;
	p2 =	slt.u32 s8, $0xFFFFF086  }
0x1c: {  	p1 =	slt.u32 s9, $0xF7A;
	s5 =	simm.s32 @!p2 $0x0  }
0x1d: {  	s5 =	simm.s32 @p1 $0x1;
	p0 =	seq.s32 s7, s2  }
0x1e: {  	s7 =	smul.u32 @!p0 $0xF7A, s2;
	p2 =	seq.s32 @!p0 s5, $0x0  }
0x1f: {  	s9 =	smul.u32 $0xF7A, s1;
	s8 =	simm.s32 @!p0 $0x1BF5;
	p2 =	por !p2, p0  }
0x20: {  	[sflag:s8] =	ssyncset.s32 @!p0 $0xFFFFF086;
	s6 =	sadd.s32 @!p0 s3, s7;
	s7 =	simm.s32 @!p0 $0x108  }
0x21: {  	s3 =	sadd.s32 s3, s9;
	s6 =	sadd.s32 @!p0 $0x88, s6;
	s7 =	simm.s32 @p2 $0x1082  }
0x22: {  	[simem:s7], [sflag:s8] =	dma.local @!p0 [hbm:s6], $0xF7A  }
0x23: {  	s9 =	sor.u32 $0xD0000000, s2;
	s6 =	simm.s32 $0x108;
	_ =	swait.ge @!p0 [sflag:s8], $0x0  }
0x24: {  	s3 =	sadd.s32 $0x88, s3;
	s6 =	simm.s32 @!p1 $0x1082;
	[sflag:s4] =	ssyncset.s32 $0xFFFFF086  }
0x25: {  	[simem:s6], [sflag:s4] =	dma.local [hbm:s3], $0xF7A  }
0x26: {  	[smem:$0x3F9B] =	sst s1;
	(tag) =	ssettag s2;
	_ =	strace s9  }
0x27: {  	s1 =	sld [smem:$0x3FAB]  }
0x28: {  	s2 =	sld [smem:$0x3FAC]  }
0x29: {  	s4 =	sld [smem:$0x3FAE]  }
0x2a: {  	p0 =	seq.s32 s5, $0x0;
	s5 =	sld [smem:$0x3FAF]  }
0x2b: {  	s6 =	sld [smem:$0x3FB0]  }
0x2c: {  	s7 =	sld [smem:$0x3FB1]  }
0x2d: {  	s3 =	simm.s32 $0x108;
	s8 =	sld [smem:$0x3FB2]  }
0x2e: {  	s3 =	simm.s32 @!p0 $0x1082;
	s9 =	sld [smem:$0x3FB3]  }
0x2f: {  	lr =	sadd.s32 s0, s3;
	s0 =	sld [smem:$0x3FAA]  }
0x30: {  	s3 =	sld [smem:$0x3FAD]  }
0x31: {  	[smem:$0x3FB6] =	sst s10  }
0x32: {  	s10 =	sld [smem:$0x3FB4];
	_ =	sdelay $0x3  }
0x33: {  	p0 =	seq.s32 s10, $0x1;
	s10 =	sld [smem:$0x3FB6];
	_ =	sdelay $0x3  }
0x34: {  	[smem:$0x3FB6] =	sst s10  }
0x35: {  	s10 =	sld [smem:$0x3FB5];
	_ =	sdelay $0x3  }
0x36: {  	p1 =	seq.s32 s10, $0x1;
	s10 =	sld [smem:$0x3FB6];
	_ =	sdelay $0x3  }
0x37: {  	[smem:$0x3FB6] =	sst s10  }
0x38: {  	s10 =	sld [smem:$0x3FB7]  }
0x39: {  	_ = 	snop;
	(pc) =	sbr.ind lr, $3  }
0x3a: {  	_ = 	snop  }
0x3b: {  	_ = 	snop  }
0x3c: {  	p2 =	seq.s32 s10, $0x1;
	s10 =	sld [smem:$0x3FB6]  }
0x3d: {  	_ =	shalt  }
0x3e: {  	_ =	shalt  }
0x3f: {  	_ =	shalt  }
0x40: {  	_ =	shalt  }
0x41: {  	_ =	shalt  }
0x42: {  	_ =	shalt  }
0x43: {  	_ =	shalt  }
0x44: {  	_ =	shalt  }
0x45: {  	_ =	shalt  }
0x46: {  	_ =	shalt  }
0x47: {  	_ =	shalt  }
0x48: {  	_ =	shalt  }
0x49: {  	_ =	shalt  }
0x4a: {  	_ =	shalt  }
0x4b: {  	_ =	shalt  }
0x4c: {  	_ =	shalt  }
0x4d: {  	_ =	shalt  }
0x4e: {  	_ =	shalt  }
0x4f: {  	_ =	shalt  }
0x50: {  	_ =	shalt  }
0x51: {  	_ =	shalt  }
0x52: {  	_ =	shalt  }
0x53: {  	_ =	shalt  }
0x54: {  	_ =	shalt  }
0x55: {  	_ =	shalt  }
0x56: {  	_ =	shalt  }
0x57: {  	_ =	shalt  }
0x58: {  	_ =	shalt  }
0x59: {  	_ =	shalt  }
0x5a: {  	_ =	shalt  }
0x5b: {  	_ =	shalt  }
0x5c: {  	_ =	shalt  }
0x5d: {  	_ =	shalt  }
0x5e: {  	_ =	shalt  }
0x5f: {  	_ =	shalt  }
0x60: {  	_ =	shalt  }
0x61: {  	_ =	shalt  }
0x62: {  	_ =	shalt  }
0x63: {  	_ =	shalt  }
0x64: {  	_ =	shalt  }
0x65: {  	_ =	shalt  }
0x66: {  	_ =	shalt  }
0x67: {  	_ =	shalt  }
0x68: {  	_ =	shalt  }
0x69: {  	_ =	shalt  }
0x6a: {  	_ =	shalt  }
0x6b: {  	_ =	shalt  }
0x6c: {  	_ =	shalt  }
0x6d: {  	_ =	shalt  }
0x6e: {  	_ =	shalt  }
0x6f: {  	_ =	shalt  }
0x70: {  	_ =	shalt  }
0x71: {  	_ =	shalt  }
0x72: {  	_ =	shalt  }
0x73: {  	_ =	shalt  }
0x74: {  	_ =	shalt  }
0x75: {  	_ =	shalt  }
0x76: {  	_ =	shalt  }
0x77: {  	_ =	shalt  }
0x78: {  	_ =	shalt  }
0x79: {  	_ =	shalt  }
0x7a: {  	_ =	shalt  }
0x7b: {  	_ =	shalt  }
0x7c: {  	_ =	shalt  }
0x7d: {  	_ =	shalt  }
0x7e: {  	_ =	shalt  }
0x7f: {  	_ =	shalt  }
0x80: {  	_ =	shalt  }
0x81: {  	_ =	shalt  }
0x82: {  	_ =	shalt  }
0x83: {  	_ =	shalt  }
0x84: {  	_ =	shalt  }
0x85: {  	_ =	shalt  }
0x86: {  	_ =	shalt  }
0x87: {  	_ =	shalt  }
.Lfunc_end0:
.L_simem_size_0:
called_computation_lowered:
.L_overlay_start_0:
0x88: {  	s2 =	sld [smem:$0x3FD9]  }
0x89: {  	s3 =	sld [smem:$0x3FFE];
	_ =	sdelay $0x1  }
0x8a: {  	s1 =	srdreg.scid  }
0x8b: {  	s0 =	sand.u32 $0x1, s1  }
0x8c: {  	s17 =	sshll.u32 s0, $0xA;
	s2 =	sadd.s32 s3, s2  }
0x8d: {  	s2 =	sadd.s32 s2, s17  }
0x8e: {  	[smem:$0x3FC2] =	sst s2  }
0x8f: {  	_ = 	snop  }
0x90: {  	s2 =	sld [smem:$0x3FC9]  }
0x91: {  	s18 =	sld [smem:$0x3FC8];
	(tm) =	ssettm $0x1  }
0x92: {  	s4 =	sld [smem:$0x3FFB];
	_ =	sdelay $0x3  }
0x93: {  	_ =	strace s4  }
0x94: {  	s4 =	sld [smem:$0x3FFC];
	_ =	sdelay $0x3  }
0x95: {  	_ =	strace s4  }
0x96: {  	s4 =	sld [smem:$0x3FFD];
	_ =	sdelay $0x3  }
0x97: {  	_ =	strace s4  }
0x98: {  	_ =	strace $0x8FFFFFFF  }
0x99: {  	s19 =	sld [smem:$0x3FDB];
	_ =	sdelay $0x1  }
0x9a: {  	s5 =	simm.s32 $_scs_section_size  }
0x9b: {  	s6 =	simm.s32 $_size__tile_overlayer_lowered;
	s7 =	simm.s32 $_tile_overlayer_lowered  }
0x9c: {  	s22 =	simm.s32 $0x1BFF;
	s21 =	sshll.u32 s7, $0x1;
	s4 =	sadd.s32 s5, s19  }
0x9d: {  	s8 =	simm.s32 $0x0;
	s20 =	sshll.u32 s6, $0x1;
	s6 =	sadd.s32 s21, s4  }
0x9e: {  	[timem:s8], [sflag:s22] =	dma.local [hbm:s6], s20  }
0x9f: {  	_ =	swait.ge [sflag:s22], s20  }
0xa0: {  	s5 =	ssub.s32 $0x0, s20;
	[sflag:s22] =	ssyncset.done $0x0  }
0xa1: {  	[sflag:s22] =	ssyncadd.s32 s5;
	_ =	sdelay $0x1  }
0xa2: {  	s23 =	simm.s32 $0x1B8B  }
0xa3: {  	_ =	swait.ge [sflag:s23], $0x1  }
0xa4: {  	[sflag:s23] =	ssyncset.done $0x0  }
0xa5: {  	s25 =	simm.s32 $0x1B8E;
	s24 =	sld [smem:$0x3FFE];
	[sflag:s23] =	ssyncadd.s32 $0xFFFFFFFF  }
0xa6: {  	s26 =	simm.s32 $execute0_lowered;
	[smem:$0x3FD2] =	sst s25  }
0xa7: {  	s6 =	sshll.u32 s26, $0x1;
	_ =	strace $0x80000046;
	[dreg:$0x1] =	wrdreg $0xFFFFFFFF  }
0xa8: {  	s28 =	simm.s32 $_size_execute0_lowered;
	s4 =	sadd.s32 s4, s6;
	[dreg:$0x0] =	wrdreg $0x0  }
0xa9: {  	s6 =	sshll.u32 s28, $0x1;
	[dreg:$0x2] =	wrdreg s4  }
0xaa: {  	[dreg:$0x3] =	wrdreg s6  }
0xab: {  	[dreg:$0x4] =	wrdreg $0xC0  }
0xac: {  	_ =	task [dreg:s8], $0x5FFFF  }
0xad: {  	[dreg:$0x1] =	wrdreg $0xFFFFFFFF  }
0xae: {  	[dreg:$0x0] =	wrdreg $0x60  }
0xaf: {  	[dreg:$0x2] =	wrdreg s2  }
0xb0: {  	[dreg:$0x3] =	wrdreg s18  }
0xb1: {  	[dreg:$0x4] =	wrdreg s24  }
0xb2: {  	[dreg:$0x5] =	wrdreg $0x9  }
0xb3: {  	_ =	task.clear_ibuf [dreg:s8], $0x6FFFF;
	_ =	strace $0x90000046  }
0xb4: {  	s29 =	simm.s32 $0x9;
	_ =	strace $0x80000048  }
0xb5: {  	_ =	swait.ge [sflag:s29], $0x1  }
0xb6: {  	[sflag:s29] =	ssyncadd.s32 $0xFFFFFFFF  }
0xb7: {  	_ =	strace $0x90000048  }
0xb8: {  	_ =	sfence  }
0xb9: {  	s30 =	sld [smem:$0x0];
	_ =	sdelay $0x2  }
0xba: {  	s31 =	sshll.u32 s1, $0xD;
	s1 =	sshrl.u32 s1, $0x2  }
0xbb: {  	s3 =	sand.u32 $0x4000, s31;
	s1 =	sadd.s32 s1, s30  }
0xbc: {  	s0 =	sor.u32 s3, s0;
	s1 =	sshll.u32 s1, $0x11  }
0xbd: {  	s0 =	sor.u32 s1, s0  }
0xbe: {  	s0 =	sadd.s32 $0x8F2B, s0  }
0xbf: {  	[sflag:s0] =	ssyncadd.remote.s32 $0x1  }
0xc0: {  	_ =	sfence.sel $0xFFFF  }
0xc1: {  	[dreg:$0x0] =	wrdreg $0xFFFFFFFF;
	(pc) =	sbr.abs _section_cstart, $3  }
0xc2: {  	[dreg:$0x1] =	wrdreg $0xFFFFFFFF  }
0xc3: {  	_ =	task.clear_ibuf [dreg:s8], $0x2FFFF;
	_ =	strace $0x9FFFFFFF  }
0xc4: {  	(tm) =	ssettm $0x7FFFFFFF  }
0xc5: {  	_ =	shalt  }
tec
execute0_lowered:
.L_overlay_start_1:
0x0: {  	(tag) =	ssettag $0x1  }
0x1: {  	s1 =	srdreg.scid;
	s0 =	stileid.u32  }
0x2: {  	s3 =	rddreg [dreg:$0x0];
	s4 =	sand.u32 $0x1, s1;
	s2 =	sshll.u32 s0, $0x1  }
0x3: {  	s6 =	rddreg [dreg:$0x2];
	s28 =	simm.s32 $0x6;
	s7 =	sor.u32 s4, s2  }
0x4: {  	s29 =	simm.s32 $0x7;
	s30 =	simm.s32 $0x8;
	s5 =	smul.u32 $0x2710, s7  }
0x5: {  	s1 =	rddreg [dreg:$0x1];
	s2 =	simm.s32 $0x0;
	s8 =	smul.u32 $0x27100, s7  }
0x6: {  	s4 =	ssub.s32 $0x2, s4;
	[smem:$0x7FF] =	sst s2;
	s7 =	smul.u32 $0x6, s7  }
0x7: {  	_ =	strace $0x80000047;
	s8 =	sadd.s32 s3, s8;
	s9 =	sshrl.u32 s5, $0x3  }
0x8: {  	s0 =	sadd.s32 $0x190, s5;
	s16 =	sadd.s32 $0x4B0, s5;
	s18 =	sadd.s32 $0x640, s5  }
0x9: {  	s24 =	sadd.s32 $0x7D0, s5;
	s26 =	sadd.s32 $0x960, s5;
	s6 =	sadd.s32 s7, s6  }
0xa: {  	[dreg:$0x4] =	wrdreg s8;
	s31 =	sadd.s32 s1, s9;
	s10 =	sshll.u32 s0, $0x4  }
0xb: {  	s9 =	sshrl.u32 s0, $0x3;
	s17 =	sshll.u32 s16, $0x4;
	s20 =	sshll.u32 s18, $0x4  }
0xc: {  	s22 =	sshrl.u32 s18, $0x3;
	s25 =	sshll.u32 s24, $0x4;
	s0 =	sshll.u32 s26, $0x4  }
0xd: {  	[dreg:$0x5] =	wrdreg s31;
	s8 =	sadd.s32 s3, s10;
	s10 =	sadd.s32 $0x320, s5  }
0xe: {  	s11 =	sadd.s32 s1, s9;
	s9 =	sshrl.u32 s16, $0x3;
	s21 =	sadd.s32 s3, s20  }
0xf: {  	s23 =	sadd.s32 s1, s22;
	s16 =	sadd.s32 $0xC80, s5;
	[dreg:$0x6] =	wrdreg s8  }
0x10: {  	s22 =	sadd.s32 $0xE10, s5;
	s12 =	sshll.u32 s10, $0x4;
	[dreg:$0x7] =	wrdreg s11  }
0x11: {  	s14 =	sshrl.u32 s10, $0x3;
	s8 =	sadd.s32 s3, s17;
	[dreg:$0xc] =	wrdreg s21  }
0x12: {  	s19 =	sadd.s32 s1, s9;
	[dreg:$0xd] =	wrdreg s23;
	s9 =	sshrl.u32 s24, $0x3  }
0x13: {  	s11 =	sadd.s32 s3, s0;
	s18 =	sshll.u32 s16, $0x4;
	s20 =	sshrl.u32 s16, $0x3  }
0x14: {  	s23 =	sshll.u32 s22, $0x4;
	s24 =	sadd.s32 $0xFA0, s5;
	s10 =	sadd.s32 $0x1130, s5  }
0x15: {  	s13 =	sadd.s32 s3, s12;
	s15 =	sadd.s32 s1, s14;
	[dreg:$0xa] =	wrdreg s8  }
0x16: {  	[dreg:$0xb] =	wrdreg s19;
	s8 =	sadd.s32 s3, s25;
	s31 =	sadd.s32 s1, s9  }
0x17: {  	s12 =	sshrl.u32 s26, $0x3;
	[dreg:$0x10] =	wrdreg s11;
	s14 =	sadd.s32 $0xAF0, s5  }
0x18: {  	s19 =	sadd.s32 s3, s18;
	s21 =	sadd.s32 s1, s20;
	[dreg:$0x8] =	wrdreg s13  }
0x19: {  	s26 =	sshll.u32 s24, $0x4;
	s0 =	sshrl.u32 s24, $0x3;
	[dreg:$0x9] =	wrdreg s15  }
0x1a: {  	s11 =	sshll.u32 s10, $0x4;
	s18 =	sadd.s32 $0x1450, s5;
	[dreg:$0xe] =	wrdreg s8  }
0x1b: {  	s20 =	sadd.s32 $0x15E0, s5;
	[dreg:$0xf] =	wrdreg s31;
	s13 =	sadd.s32 s1, s12  }
0x1c: {  	s15 =	sshll.u32 s14, $0x4;
	s9 =	sshrl.u32 s14, $0x3;
	[dreg:$0x14] =	wrdreg s19  }
0x1d: {  	[dreg:$0x15] =	wrdreg s21;
	s31 =	sadd.s32 s3, s26;
	s12 =	sadd.s32 $0x12C0, s5  }
0x1e: {  	s19 =	sshll.u32 s18, $0x4;
	s24 =	sshrl.u32 s20, $0x3;
	[dreg:$0x11] =	wrdreg s13  }
0x1f: {  	s26 =	sadd.s32 $0x1770, s5;
	s8 =	sadd.s32 s3, s15;
	[dreg:$0x18] =	wrdreg s31  }
0x20: {  	s17 =	sadd.s32 s1, s9;
	s9 =	sshrl.u32 s22, $0x3;
	[dreg:$0x12] =	wrdreg s8  }
0x21: {  	s14 =	sshll.u32 s12, $0x4;
	[dreg:$0x13] =	wrdreg s17;
	s8 =	sadd.s32 s3, s23  }
0x22: {  	s16 =	sshrl.u32 s12, $0x3;
	s25 =	sadd.s32 s1, s9;
	[dreg:$0x16] =	wrdreg s8  }
0x23: {  	s22 =	sshll.u32 s20, $0x4;
	s9 =	sadd.s32 s1, s0;
	[dreg:$0x17] =	wrdreg s25  }
0x24: {  	s31 =	sshll.u32 s26, $0x4;
	s15 =	sadd.s32 s3, s14;
	[dreg:$0x19] =	wrdreg s9  }
0x25: {  	s17 =	sadd.s32 s1, s16;
	s23 =	sadd.s32 s3, s22;
	[dreg:$0x1c] =	wrdreg s15  }
0x26: {  	s0 =	sadd.s32 $0x1900, s5;
	s16 =	sadd.s32 $0x1A90, s5;
	[dreg:$0x1d] =	wrdreg s17  }
0x27: {  	s8 =	sadd.s32 s3, s11;
	s9 =	sshrl.u32 s10, $0x3;
	[smem:$0x7E7] =	sst s23  }
0x28: {  	s25 =	sadd.s32 s1, s24;
	s12 =	sshll.u32 s0, $0x4;
	s14 =	sshrl.u32 s0, $0x3  }
0x29: {  	s17 =	sshll.u32 s16, $0x4;
	s24 =	sadd.s32 $0x1DB0, s5;
	[dreg:$0x1a] =	wrdreg s8  }
0x2a: {  	s13 =	sadd.s32 s1, s9;
	s8 =	sadd.s32 s3, s19;
	[smem:$0x7E8] =	sst s25  }
0x2b: {  	s9 =	sshrl.u32 s18, $0x3;
	s15 =	sadd.s32 s1, s14;
	[dreg:$0x1b] =	wrdreg s13  }
0x2c: {  	s18 =	sadd.s32 $0x1C20, s5;
	s25 =	sshll.u32 s24, $0x4;
	[dreg:$0x1e] =	wrdreg s8  }
0x2d: {  	s21 =	sadd.s32 s1, s9;
	s8 =	sadd.s32 s3, s31;
	s9 =	sshrl.u32 s26, $0x3  }
0x2e: {  	s13 =	sadd.s32 s3, s12;
	[smem:$0x7EC] =	sst s15;
	s20 =	sshll.u32 s18, $0x4  }
0x2f: {  	s22 =	sshrl.u32 s18, $0x3;
	s26 =	sadd.s32 $0x1F40, s5;
	[dreg:$0x1f] =	wrdreg s21  }
0x30: {  	s12 =	sadd.s32 $0x20D0, s5;
	s15 =	sadd.s32 $0x2260, s5;
	[smem:$0x7E9] =	sst s8  }
0x31: {  	s11 =	sadd.s32 s1, s9;
	[smem:$0x7EB] =	sst s13;
	s8 =	sadd.s32 s3, s17  }
0x32: {  	s9 =	sshrl.u32 s16, $0x3;
	s21 =	sadd.s32 s3, s20;
	s23 =	sadd.s32 s1, s22  }
0x33: {  	s0 =	sshll.u32 s26, $0x4;
	s10 =	sshrl.u32 s26, $0x3;
	[smem:$0x7EA] =	sst s11  }
0x34: {  	s13 =	sshll.u32 s12, $0x4;
	s14 =	sshrl.u32 s12, $0x3;
	[smem:$0x7ED] =	sst s8  }
0x35: {  	s17 =	sshll.u32 s15, $0x4;
	s12 =	simm.s32 $0x194B0;
	[smem:$0x7EF] =	sst s21  }
0x36: {  	s19 =	sadd.s32 s1, s9;
	[smem:$0x7F0] =	sst s23;
	s8 =	sadd.s32 s3, s25  }
0x37: {  	s9 =	sshrl.u32 s24, $0x3;
	s11 =	sadd.s32 s1, s10;
	s7 =	sadd.s32 s3, s13  }
0x38: {  	s16 =	sadd.s32 s1, s14;
	s18 =	sadd.s32 s3, s17;
	[smem:$0x7EE] =	sst s19  }
0x39: {  	s21 =	sadd.s32 $0x23F0, s5;
	s5 =	sadd.s32 $0x2580, s5;
	[smem:$0x7F1] =	sst s8  }
0x3a: {  	s25 =	sshrl.u32 s4, $0x1;
	s10 =	simm.s32 $0x19320;
	[smem:$0x7F4] =	sst s11  }
0x3b: {  	s13 =	simm.s32 $0xC800;
	s14 =	simm.s32 $0x19640;
	[smem:$0x7F5] =	sst s7  }
0x3c: {  	s17 =	simm.s32 $0x12C00;
	s31 =	sadd.s32 s1, s9;
	[smem:$0x7F6] =	sst s16  }
0x3d: {  	s9 =	sadd.s32 s3, s0;
	s19 =	sshrl.u32 s15, $0x3;
	[smem:$0x7F7] =	sst s18  }
0x3e: {  	s22 =	sshll.u32 s21, $0x4;
	s8 =	sshrl.u32 s21, $0x3;
	s24 =	sshll.u32 s5, $0x4  }
0x3f: {  	s5 =	sshrl.u32 s5, $0x3;
	s26 =	ssub.s32 s4, s25;
	s4 =	simm.s32 $0x20  }
0x40: {  	s11 =	simm.s32 $0x9600;
	s15 =	simm.s32 $0xFA00;
	s16 =	simm.s32 $0x197D0  }
0x41: {  	s18 =	simm.s32 $0x19960;
	s21 =	simm.s32 $0x1;
	[smem:$0x7F2] =	sst s31  }
0x42: {  	s25 =	simm.s32 $0x4;
	[smem:$0x7F3] =	sst s9;
	s20 =	sadd.s32 s1, s19  }
0x43: {  	s7 =	sadd.s32 s3, s22;
	s23 =	sadd.s32 s1, s8;
	[smem:$0x7F8] =	sst s20  }
0x44: {  	s3 =	sadd.s32 s3, s24;
	s1 =	sadd.s32 s1, s5;
	[smem:$0x7F9] =	sst s7  }
0x45: {  	s31 =	sadd.s32 $0xA00, s6;
	s5 =	simm.s32 $0x80;
	[smem:$0x7FA] =	sst s23  }
0x46: {  	s6 =	simm.s32 $0x19000;
	s8 =	simm.s32 $0x19190;
	[smem:$0x7FB] =	sst s3  }
0x47: {  	s9 =	simm.s32 $0x6400;
	s19 =	simm.s32 $0x15E00;
	[smem:$0x7FC] =	sst s1  }
0x48: {  	s22 =	simm.s32 $0x19C80;
	s24 =	simm.s32 $0x3;
	[smem:$0x7FD] =	sst s31  }
0x49: {  	v1 =	vlaneseq.u32;
	s3 =	smax.u32 s26, $0x1;
	s7 =	simm.s32 $0x3200;
	s20 =	simm.s32 $0x19AF0  }
0x4a: {  	v0 =	vimm.f32 $0.0e+00;
	v1 =	vmul.u32 $0x10, v1;
	s23 =	simm.s32 $0x2;
	s26 =	simm.s32 $0x5;
	s1 =	simm.s32 $0x9  }
.LBB2_1:
0x4b: {  	[tilespmem:$0x19C80] =	vst v0  }
0x4c: {  	[tilespmem:$0x19D80] =	vst v0  }
0x4d: {  	[tilespmem:$0x19E80] =	vst v0  }
0x4e: {  	[tilespmem:$0x19C90] =	vst v0  }
0x4f: {  	[tilespmem:$0x19D90] =	vst v0  }
0x50: {  	[tilespmem:$0x19E90] =	vst v0  }
0x51: {  	[tilespmem:$0x19CA0] =	vst v0  }
0x52: {  	[tilespmem:$0x19DA0] =	vst v0  }
0x53: {  	[tilespmem:$0x19EA0] =	vst v0  }
0x54: {  	[tilespmem:$0x19CB0] =	vst v0  }
0x55: {  	[tilespmem:$0x19DB0] =	vst v0  }
0x56: {  	[tilespmem:$0x19EB0] =	vst v0  }
0x57: {  	[tilespmem:$0x19CC0] =	vst v0  }
0x58: {  	[tilespmem:$0x19DC0] =	vst v0  }
0x59: {  	[tilespmem:$0x19EC0] =	vst v0  }
0x5a: {  	[tilespmem:$0x19CD0] =	vst v0  }
0x5b: {  	[tilespmem:$0x19DD0] =	vst v0  }
0x5c: {  	[tilespmem:$0x19ED0] =	vst v0  }
0x5d: {  	[tilespmem:$0x19CE0] =	vst v0  }
0x5e: {  	[tilespmem:$0x19DE0] =	vst v0  }
0x5f: {  	[tilespmem:$0x19EE0] =	vst v0  }
0x60: {  	[tilespmem:$0x19CF0] =	vst v0  }
0x61: {  	[tilespmem:$0x19DF0] =	vst v0  }
0x62: {  	[tilespmem:$0x19EF0] =	vst v0  }
0x63: {  	[tilespmem:$0x19D00] =	vst v0  }
0x64: {  	[tilespmem:$0x19E00] =	vst v0  }
0x65: {  	[tilespmem:$0x19F00] =	vst v0  }
0x66: {  	[tilespmem:$0x19D10] =	vst v0  }
0x67: {  	[tilespmem:$0x19E10] =	vst v0  }
0x68: {  	[tilespmem:$0x19F10] =	vst v0  }
0x69: {  	[tilespmem:$0x19D20] =	vst v0  }
0x6a: {  	[tilespmem:$0x19E20] =	vst v0  }
0x6b: {  	[tilespmem:$0x19F20] =	vst v0  }
0x6c: {  	[tilespmem:$0x19D30] =	vst v0  }
0x6d: {  	[tilespmem:$0x19E30] =	vst v0  }
0x6e: {  	[tilespmem:$0x19F30] =	vst v0  }
0x6f: {  	[tilespmem:$0x19D40] =	vst v0  }
0x70: {  	[tilespmem:$0x19E40] =	vst v0  }
0x71: {  	[tilespmem:$0x19F40] =	vst v0  }
0x72: {  	[tilespmem:$0x19D50] =	vst v0  }
0x73: {  	[tilespmem:$0x19E50] =	vst v0  }
0x74: {  	[tilespmem:$0x19F50] =	vst v0  }
0x75: {  	[tilespmem:$0x19D60] =	vst v0  }
0x76: {  	[tilespmem:$0x19E60] =	vst v0  }
0x77: {  	[tilespmem:$0x19F60] =	vst v0  }
0x78: {  	[tilespmem:$0x19D70] =	vst v0  }
0x79: {  	[tilespmem:$0x19E70] =	vst v0  }
0x7a: {  	s0 =	rddreg [dreg:$0x4];
	[tilespmem:$0x19F70] =	vst v0  }
0x7b: {  	[tilespmem:s2], [sflag:$0x1] =	stream.strided.gather [hbm4b:s0+s4], $0x3200, s5, s4, $0x38;
	[tilespmem:$0x19FB0] =	vst v63  }
0x7c: {  	s31 =	rddreg [dreg:$0x5]  }
0x7d: {  	[tilespmem:s6], [sflag:$0x1] =	stream.linear.gather [hbm4b:s31+s2], $0x190, $0x38;
	[tilespmem:$0x19FB0] =	vst v63  }
0x7e: {  	s0 =	rddreg [dreg:$0x6]  }
0x7f: {  	[tilespmem:s7], [sflag:$0x2] =	stream.strided.gather [hbm4b:s0+s4], $0x3200, s5, s4, $0x38;
	[tilespmem:$0x19FB0] =	vst v63  }
0x80: {  	s31 =	rddreg [dreg:$0x7]  }
0x81: {  	[tilespmem:s8], [sflag:$0x2] =	stream.linear.gather [hbm4b:s31+s2], $0x190, $0x38;
	[tilespmem:$0x19FB0] =	vst v63  }
0x82: {  	s0 =	rddreg [dreg:$0x8]  }
0x83: {  	[tilespmem:s9], [sflag:$0x3] =	stream.strided.gather [hbm4b:s0+s4], $0x3200, s5, s4, $0x38;
	[tilespmem:$0x19FB0] =	vst v63  }
0x84: {  	s31 =	rddreg [dreg:$0x9]  }
0x85: {  	[tilespmem:s10], [sflag:$0x3] =	stream.linear.gather [hbm4b:s31+s2], $0x190, $0x38;
	[tilespmem:$0x19FB0] =	vst v63  }
0x86: {  	s0 =	rddreg [dreg:$0xa]  }
0x87: {  	[tilespmem:s11], [sflag:$0x4] =	stream.strided.gather [hbm4b:s0+s4], $0x3200, s5, s4, $0x38;
	[tilespmem:$0x19FB0] =	vst v63  }
0x88: {  	s31 =	rddreg [dreg:$0xb]  }
0x89: {  	[tilespmem:s12], [sflag:$0x4] =	stream.linear.gather [hbm4b:s31+s2], $0x190, $0x38;
	[tilespmem:$0x19FB0] =	vst v63  }
0x8a: {  	s0 =	rddreg [dreg:$0xc]  }
0x8b: {  	[tilespmem:s13], [sflag:$0x5] =	stream.strided.gather [hbm4b:s0+s4], $0x3200, s5, s4, $0x38;
	[tilespmem:$0x19FB0] =	vst v63  }
0x8c: {  	s31 =	rddreg [dreg:$0xd]  }
0x8d: {  	[tilespmem:s14], [sflag:$0x5] =	stream.linear.gather [hbm4b:s31+s2], $0x190, $0x38;
	[tilespmem:$0x19FB0] =	vst v63  }
0x8e: {  	s0 =	rddreg [dreg:$0xe]  }
0x8f: {  	[tilespmem:s15], [sflag:$0x6] =	stream.strided.gather [hbm4b:s0+s4], $0x3200, s5, s4, $0x38;
	[tilespmem:$0x19FB0] =	vst v63  }
0x90: {  	s31 =	rddreg [dreg:$0xf]  }
0x91: {  	[tilespmem:s16], [sflag:$0x6] =	stream.linear.gather [hbm4b:s31+s2], $0x190, $0x38;
	[tilespmem:$0x19FB0] =	vst v63  }
0x92: {  	s0 =	rddreg [dreg:$0x10]  }
0x93: {  	[tilespmem:s17], [sflag:$0x7] =	stream.strided.gather [hbm4b:s0+s4], $0x3200, s5, s4, $0x38;
	[tilespmem:$0x19FB0] =	vst v63  }
0x94: {  	s31 =	rddreg [dreg:$0x11]  }
0x95: {  	[tilespmem:s18], [sflag:$0x7] =	stream.linear.gather [hbm4b:s31+s2], $0x190, $0x38;
	[tilespmem:$0x19FB0] =	vst v63  }
0x96: {  	s0 =	rddreg [dreg:$0x12]  }
0x97: {  	[tilespmem:s19], [sflag:$0x8] =	stream.strided.gather [hbm4b:s0+s4], $0x3200, s5, s4, $0x38;
	[tilespmem:$0x19FB0] =	vst v63  }
0x98: {  	s31 =	rddreg [dreg:$0x13]  }
0x99: {  	[tilespmem:s20], [sflag:$0x8] =	stream.linear.gather [hbm4b:s31+s2], $0x190, $0x38;
	[tilespmem:$0x19FB0] =	vst v63  }
0x9a: {  	_ =	swait.ge [sflag:s21], $0x3200  }
0x9b: {  	[sflag:s21] =	ssyncset.done $0x0  }
0x9c: {  	[sflag:s21] =	ssyncadd.s32 $0xFFFFCE00  }
0x9d: {  	_ =	swait.ge [sflag:s21], $0x190  }
0x9e: {  	[sflag:s21] =	ssyncset.done $0x0  }
0x9f: {  	[sflag:s21] =	ssyncadd.s32 $0xFFFFFE70  }
0xa0: {  	v2 =	vld.msk [tilespmem:$0x19000 ss:$0x0], $0xffff;
	_ =	sdelay $0x4  }
0xa1: {  	v2 =	vadd.s32 v1, v2;
	_ =	sdelay $0x4  }
0xa2: {  	s0 =	rddreg [dreg:$0x14];
	[tilespmem:v2+s22+$0x0] =	vst.idx.add.f32.msk $0xffff, v0  }
0xa3: {  	[tilespmem:s2], [sflag:$0x1] =	stream.strided.gather [hbm4b:s0+s4], $0x3200, s5, s4, $0x38;
	[tilespmem:$0x19FB0] =	vst v63  }
0xa4: {  	s31 =	rddreg [dreg:$0x15]  }
0xa5: {  	[tilespmem:s6], [sflag:$0x1] =	stream.linear.gather [hbm4b:s31+s2], $0x190, $0x38;
	[tilespmem:$0x19FB0] =	vst v63  }
0xa6: {  	_ =	swait.ge [sflag:s23], $0x3200  }
0xa7: {  	[sflag:s23] =	ssyncset.done $0x0  }
0xa8: {  	[sflag:s23] =	ssyncadd.s32 $0xFFFFCE00  }
0xa9: {  	_ =	swait.ge [sflag:s23], $0x190  }
0xaa: {  	[sflag:s23] =	ssyncset.done $0x0  }
0xab: {  	[sflag:s23] =	ssyncadd.s32 $0xFFFFFE70  }
0xac: {  	v2 =	vld.msk [tilespmem:$0x19190 ss:$0x0], $0xffff;
	_ =	sdelay $0x4  }
0xad: {  	v2 =	vadd.s32 v1, v2;
	_ =	sdelay $0x4  }
0xae: {  	s0 =	rddreg [dreg:$0x16];
	[tilespmem:v2+s22+$0x0] =	vst.idx.add.f32.msk $0xffff, v0  }
0xaf: {  	[tilespmem:s7], [sflag:$0x2] =	stream.strided.gather [hbm4b:s0+s4], $0x3200, s5, s4, $0x38;
	[tilespmem:$0x19FB0] =	vst v63  }
0xb0: {  	s31 =	rddreg [dreg:$0x17]  }
0xb1: {  	[tilespmem:s8], [sflag:$0x2] =	stream.linear.gather [hbm4b:s31+s2], $0x190, $0x38;
	[tilespmem:$0x19FB0] =	vst v63  }
0xb2: {  	_ =	swait.ge [sflag:s24], $0x3200  }
0xb3: {  	[sflag:s24] =	ssyncset.done $0x0  }
0xb4: {  	[sflag:s24] =	ssyncadd.s32 $0xFFFFCE00  }
0xb5: {  	_ =	swait.ge [sflag:s24], $0x190  }
0xb6: {  	[sflag:s24] =	ssyncset.done $0x0  }
0xb7: {  	[sflag:s24] =	ssyncadd.s32 $0xFFFFFE70  }
0xb8: {  	v2 =	vld.msk [tilespmem:$0x19320 ss:$0x0], $0xffff;
	_ =	sdelay $0x4  }
0xb9: {  	v2 =	vadd.s32 v1, v2;
	_ =	sdelay $0x4  }
0xba: {  	s0 =	rddreg [dreg:$0x18];
	[tilespmem:v2+s22+$0x0] =	vst.idx.add.f32.msk $0xffff, v0  }
0xbb: {  	[tilespmem:s9], [sflag:$0x3] =	stream.strided.gather [hbm4b:s0+s4], $0x3200, s5, s4, $0x38;
	[tilespmem:$0x19FB0] =	vst v63  }
0xbc: {  	s31 =	rddreg [dreg:$0x19]  }
0xbd: {  	[tilespmem:s10], [sflag:$0x3] =	stream.linear.gather [hbm4b:s31+s2], $0x190, $0x38;
	[tilespmem:$0x19FB0] =	vst v63  }
0xbe: {  	_ =	swait.ge [sflag:s25], $0x3200  }
0xbf: {  	[sflag:s25] =	ssyncset.done $0x0  }
0xc0: {  	[sflag:s25] =	ssyncadd.s32 $0xFFFFCE00  }
0xc1: {  	_ =	swait.ge [sflag:s25], $0x190  }
0xc2: {  	[sflag:s25] =	ssyncset.done $0x0  }
0xc3: {  	[sflag:s25] =	ssyncadd.s32 $0xFFFFFE70  }
0xc4: {  	v2 =	vld.msk [tilespmem:$0x194B0 ss:$0x0], $0xffff;
	_ =	sdelay $0x4  }
0xc5: {  	v2 =	vadd.s32 v1, v2;
	_ =	sdelay $0x4  }
0xc6: {  	s0 =	rddreg [dreg:$0x1a];
	[tilespmem:v2+s22+$0x0] =	vst.idx.add.f32.msk $0xffff, v0  }
0xc7: {  	[tilespmem:s11], [sflag:$0x4] =	stream.strided.gather [hbm4b:s0+s4], $0x3200, s5, s4, $0x38;
	[tilespmem:$0x19FB0] =	vst v63  }
0xc8: {  	s31 =	rddreg [dreg:$0x1b]  }
0xc9: {  	[tilespmem:s12], [sflag:$0x4] =	stream.linear.gather [hbm4b:s31+s2], $0x190, $0x38;
	[tilespmem:$0x19FB0] =	vst v63  }
0xca: {  	_ =	swait.ge [sflag:s26], $0x3200  }
0xcb: {  	[sflag:s26] =	ssyncset.done $0x0  }
0xcc: {  	[sflag:s26] =	ssyncadd.s32 $0xFFFFCE00  }
0xcd: {  	_ =	swait.ge [sflag:s26], $0x190  }
0xce: {  	[sflag:s26] =	ssyncset.done $0x0  }
0xcf: {  	[sflag:s26] =	ssyncadd.s32 $0xFFFFFE70  }
0xd0: {  	v2 =	vld.msk [tilespmem:$0x19640 ss:$0x0], $0xffff;
	_ =	sdelay $0x4  }
0xd1: {  	v2 =	vadd.s32 v1, v2;
	_ =	sdelay $0x4  }
0xd2: {  	s0 =	rddreg [dreg:$0x1c];
	[tilespmem:v2+s22+$0x0] =	vst.idx.add.f32.msk $0xffff, v0  }
0xd3: {  	[tilespmem:s13], [sflag:$0x5] =	stream.strided.gather [hbm4b:s0+s4], $0x3200, s5, s4, $0x38;
	[tilespmem:$0x19FB0] =	vst v63  }
0xd4: {  	s31 =	rddreg [dreg:$0x1d]  }
0xd5: {  	[tilespmem:s14], [sflag:$0x5] =	stream.linear.gather [hbm4b:s31+s2], $0x190, $0x38;
	[tilespmem:$0x19FB0] =	vst v63  }
0xd6: {  	_ =	swait.ge [sflag:s28], $0x3200  }
0xd7: {  	[sflag:s28] =	ssyncset.done $0x0  }
0xd8: {  	[sflag:s28] =	ssyncadd.s32 $0xFFFFCE00  }
0xd9: {  	_ =	swait.ge [sflag:s28], $0x190  }
0xda: {  	[sflag:s28] =	ssyncset.done $0x0  }
0xdb: {  	[sflag:s28] =	ssyncadd.s32 $0xFFFFFE70  }
0xdc: {  	v2 =	vld.msk [tilespmem:$0x197D0 ss:$0x0], $0xffff;
	_ =	sdelay $0x4  }
0xdd: {  	v2 =	vadd.s32 v1, v2;
	_ =	sdelay $0x4  }
0xde: {  	s0 =	rddreg [dreg:$0x1e];
	[tilespmem:v2+s22+$0x0] =	vst.idx.add.f32.msk $0xffff, v0  }
0xdf: {  	[tilespmem:s15], [sflag:$0x6] =	stream.strided.gather [hbm4b:s0+s4], $0x3200, s5, s4, $0x38;
	[tilespmem:$0x19FB0] =	vst v63  }
0xe0: {  	s31 =	rddreg [dreg:$0x1f]  }
0xe1: {  	[tilespmem:s16], [sflag:$0x6] =	stream.linear.gather [hbm4b:s31+s2], $0x190, $0x38;
	[tilespmem:$0x19FB0] =	vst v63  }
0xe2: {  	_ =	swait.ge [sflag:s29], $0x3200  }
0xe3: {  	[sflag:s29] =	ssyncset.done $0x0  }
0xe4: {  	[sflag:s29] =	ssyncadd.s32 $0xFFFFCE00  }
0xe5: {  	_ =	swait.ge [sflag:s29], $0x190  }
0xe6: {  	[sflag:s29] =	ssyncset.done $0x0  }
0xe7: {  	[sflag:s29] =	ssyncadd.s32 $0xFFFFFE70  }
0xe8: {  	v2 =	vld.msk [tilespmem:$0x19960 ss:$0x0], $0xffff;
	_ =	sdelay $0x4  }
0xe9: {  	v2 =	vadd.s32 v1, v2;
	_ =	sdelay $0x2  }
0xea: {  	s0 =	sld [smem:$0x7E7];
	_ =	sdelay $0x1  }
0xeb: {  	s31 =	sld [smem:$0x7E8];
	[tilespmem:v2+s22+$0x0] =	vst.idx.add.f32.msk $0xffff, v0  }
0xec: {  	[tilespmem:s17], [sflag:$0x7] =	stream.strided.gather [hbm4b:s0+s4], $0x3200, s5, s4, $0x38;
	[tilespmem:$0x19FB0] =	vst v63  }
0xed: {  	_ = 	snop  }
0xee: {  	[tilespmem:s18], [sflag:$0x7] =	stream.linear.gather [hbm4b:s31+s2], $0x190, $0x38;
	[tilespmem:$0x19FB0] =	vst v63  }
0xef: {  	_ =	swait.ge [sflag:s30], $0x3200  }
0xf0: {  	[sflag:s30] =	ssyncset.done $0x0  }
0xf1: {  	[sflag:s30] =	ssyncadd.s32 $0xFFFFCE00  }
0xf2: {  	_ =	swait.ge [sflag:s30], $0x190  }
0xf3: {  	[sflag:s30] =	ssyncset.done $0x0  }
0xf4: {  	[sflag:s30] =	ssyncadd.s32 $0xFFFFFE70  }
0xf5: {  	v2 =	vld.msk [tilespmem:$0x19AF0 ss:$0x0], $0xffff;
	_ =	sdelay $0x4  }
0xf6: {  	v2 =	vadd.s32 v1, v2;
	_ =	sdelay $0x2  }
0xf7: {  	s0 =	sld [smem:$0x7E9];
	_ =	sdelay $0x1  }
0xf8: {  	s31 =	sld [smem:$0x7EA];
	[tilespmem:v2+s22+$0x0] =	vst.idx.add.f32.msk $0xffff, v0  }
0xf9: {  	[tilespmem:s19], [sflag:$0x8] =	stream.strided.gather [hbm4b:s0+s4], $0x3200, s5, s4, $0x38;
	[tilespmem:$0x19FB0] =	vst v63  }
0xfa: {  	_ = 	snop  }
0xfb: {  	[tilespmem:s20], [sflag:$0x8] =	stream.linear.gather [hbm4b:s31+s2], $0x190, $0x38;
	[tilespmem:$0x19FB0] =	vst v63  }
0xfc: {  	_ =	swait.ge [sflag:s21], $0x3200  }
0xfd: {  	[sflag:s21] =	ssyncset.done $0x0  }
0xfe: {  	[sflag:s21] =	ssyncadd.s32 $0xFFFFCE00  }
0xff: {  	_ =	swait.ge [sflag:s21], $0x190  }
0x100: {  	[sflag:s21] =	ssyncset.done $0x0  }
0x101: {  	[sflag:s21] =	ssyncadd.s32 $0xFFFFFE70  }
0x102: {  	v2 =	vld.msk [tilespmem:$0x19000 ss:$0x0], $0xffff;
	_ =	sdelay $0x4  }
0x103: {  	v2 =	vadd.s32 v1, v2;
	_ =	sdelay $0x2  }
0x104: {  	s0 =	sld [smem:$0x7EB];
	_ =	sdelay $0x1  }
0x105: {  	s31 =	sld [smem:$0x7EC];
	[tilespmem:v2+s22+$0x0] =	vst.idx.add.f32.msk $0xffff, v0  }
0x106: {  	[tilespmem:s2], [sflag:$0x1] =	stream.strided.gather [hbm4b:s0+s4], $0x3200, s5, s4, $0x38;
	[tilespmem:$0x19FB0] =	vst v63  }
0x107: {  	_ = 	snop  }
0x108: {  	[tilespmem:s6], [sflag:$0x1] =	stream.linear.gather [hbm4b:s31+s2], $0x190, $0x38;
	[tilespmem:$0x19FB0] =	vst v63  }
0x109: {  	_ =	swait.ge [sflag:s23], $0x3200  }
0x10a: {  	[sflag:s23] =	ssyncset.done $0x0  }
0x10b: {  	[sflag:s23] =	ssyncadd.s32 $0xFFFFCE00  }
0x10c: {  	_ =	swait.ge [sflag:s23], $0x190  }
0x10d: {  	[sflag:s23] =	ssyncset.done $0x0  }
0x10e: {  	[sflag:s23] =	ssyncadd.s32 $0xFFFFFE70  }
0x10f: {  	v2 =	vld.msk [tilespmem:$0x19190 ss:$0x0], $0xffff;
	_ =	sdelay $0x4  }
0x110: {  	v2 =	vadd.s32 v1, v2;
	_ =	sdelay $0x2  }
0x111: {  	s0 =	sld [smem:$0x7ED];
	_ =	sdelay $0x1  }
0x112: {  	s31 =	sld [smem:$0x7EE];
	[tilespmem:v2+s22+$0x0] =	vst.idx.add.f32.msk $0xffff, v0  }
0x113: {  	[tilespmem:s7], [sflag:$0x2] =	stream.strided.gather [hbm4b:s0+s4], $0x3200, s5, s4, $0x38;
	[tilespmem:$0x19FB0] =	vst v63  }
0x114: {  	_ = 	snop  }
0x115: {  	[tilespmem:s8], [sflag:$0x2] =	stream.linear.gather [hbm4b:s31+s2], $0x190, $0x38;
	[tilespmem:$0x19FB0] =	vst v63  }
0x116: {  	_ =	swait.ge [sflag:s24], $0x3200  }
0x117: {  	[sflag:s24] =	ssyncset.done $0x0  }
0x118: {  	[sflag:s24] =	ssyncadd.s32 $0xFFFFCE00  }
0x119: {  	_ =	swait.ge [sflag:s24], $0x190  }
0x11a: {  	[sflag:s24] =	ssyncset.done $0x0  }
0x11b: {  	[sflag:s24] =	ssyncadd.s32 $0xFFFFFE70  }
0x11c: {  	v2 =	vld.msk [tilespmem:$0x19320 ss:$0x0], $0xffff;
	_ =	sdelay $0x4  }
0x11d: {  	v2 =	vadd.s32 v1, v2;
	_ =	sdelay $0x2  }
0x11e: {  	s0 =	sld [smem:$0x7EF];
	_ =	sdelay $0x1  }
0x11f: {  	s31 =	sld [smem:$0x7F0];
	[tilespmem:v2+s22+$0x0] =	vst.idx.add.f32.msk $0xffff, v0  }
0x120: {  	[tilespmem:s9], [sflag:$0x3] =	stream.strided.gather [hbm4b:s0+s4], $0x3200, s5, s4, $0x38;
	[tilespmem:$0x19FB0] =	vst v63  }
0x121: {  	_ = 	snop  }
0x122: {  	[tilespmem:s10], [sflag:$0x3] =	stream.linear.gather [hbm4b:s31+s2], $0x190, $0x38;
	[tilespmem:$0x19FB0] =	vst v63  }
0x123: {  	_ =	swait.ge [sflag:s25], $0x3200  }
0x124: {  	[sflag:s25] =	ssyncset.done $0x0  }
0x125: {  	[sflag:s25] =	ssyncadd.s32 $0xFFFFCE00  }
0x126: {  	_ =	swait.ge [sflag:s25], $0x190  }
0x127: {  	[sflag:s25] =	ssyncset.done $0x0  }
0x128: {  	[sflag:s25] =	ssyncadd.s32 $0xFFFFFE70  }
0x129: {  	v2 =	vld.msk [tilespmem:$0x194B0 ss:$0x0], $0xffff;
	_ =	sdelay $0x4  }
0x12a: {  	v2 =	vadd.s32 v1, v2;
	_ =	sdelay $0x2  }
0x12b: {  	s0 =	sld [smem:$0x7F1];
	_ =	sdelay $0x1  }
0x12c: {  	s31 =	sld [smem:$0x7F2];
	[tilespmem:v2+s22+$0x0] =	vst.idx.add.f32.msk $0xffff, v0  }
0x12d: {  	[tilespmem:s11], [sflag:$0x4] =	stream.strided.gather [hbm4b:s0+s4], $0x3200, s5, s4, $0x38;
	[tilespmem:$0x19FB0] =	vst v63  }
0x12e: {  	_ = 	snop  }
0x12f: {  	[tilespmem:s12], [sflag:$0x4] =	stream.linear.gather [hbm4b:s31+s2], $0x190, $0x38;
	[tilespmem:$0x19FB0] =	vst v63  }
0x130: {  	_ =	swait.ge [sflag:s26], $0x3200  }
0x131: {  	[sflag:s26] =	ssyncset.done $0x0  }
0x132: {  	[sflag:s26] =	ssyncadd.s32 $0xFFFFCE00  }
0x133: {  	_ =	swait.ge [sflag:s26], $0x190  }
0x134: {  	[sflag:s26] =	ssyncset.done $0x0  }
0x135: {  	[sflag:s26] =	ssyncadd.s32 $0xFFFFFE70  }
0x136: {  	v2 =	vld.msk [tilespmem:$0x19640 ss:$0x0], $0xffff;
	_ =	sdelay $0x4  }
0x137: {  	v2 =	vadd.s32 v1, v2;
	_ =	sdelay $0x2  }
0x138: {  	s0 =	sld [smem:$0x7F3];
	_ =	sdelay $0x1  }
0x139: {  	s31 =	sld [smem:$0x7F4];
	[tilespmem:v2+s22+$0x0] =	vst.idx.add.f32.msk $0xffff, v0  }
0x13a: {  	[tilespmem:s13], [sflag:$0x5] =	stream.strided.gather [hbm4b:s0+s4], $0x3200, s5, s4, $0x38;
	[tilespmem:$0x19FB0] =	vst v63  }
0x13b: {  	_ = 	snop  }
0x13c: {  	[tilespmem:s14], [sflag:$0x5] =	stream.linear.gather [hbm4b:s31+s2], $0x190, $0x38;
	[tilespmem:$0x19FB0] =	vst v63  }
0x13d: {  	_ =	swait.ge [sflag:s28], $0x3200  }
0x13e: {  	[sflag:s28] =	ssyncset.done $0x0  }
0x13f: {  	[sflag:s28] =	ssyncadd.s32 $0xFFFFCE00  }
0x140: {  	_ =	swait.ge [sflag:s28], $0x190  }
0x141: {  	[sflag:s28] =	ssyncset.done $0x0  }
0x142: {  	[sflag:s28] =	ssyncadd.s32 $0xFFFFFE70  }
0x143: {  	v2 =	vld.msk [tilespmem:$0x197D0 ss:$0x0], $0xffff;
	_ =	sdelay $0x4  }
0x144: {  	v2 =	vadd.s32 v1, v2;
	_ =	sdelay $0x2  }
0x145: {  	s0 =	sld [smem:$0x7F5];
	_ =	sdelay $0x1  }
0x146: {  	s31 =	sld [smem:$0x7F6];
	[tilespmem:v2+s22+$0x0] =	vst.idx.add.f32.msk $0xffff, v0  }
0x147: {  	[tilespmem:s15], [sflag:$0x6] =	stream.strided.gather [hbm4b:s0+s4], $0x3200, s5, s4, $0x38;
	[tilespmem:$0x19FB0] =	vst v63  }
0x148: {  	_ = 	snop  }
0x149: {  	[tilespmem:s16], [sflag:$0x6] =	stream.linear.gather [hbm4b:s31+s2], $0x190, $0x38;
	[tilespmem:$0x19FB0] =	vst v63  }
0x14a: {  	_ =	swait.ge [sflag:s29], $0x3200  }
0x14b: {  	[sflag:s29] =	ssyncset.done $0x0  }
0x14c: {  	[sflag:s29] =	ssyncadd.s32 $0xFFFFCE00  }
0x14d: {  	_ =	swait.ge [sflag:s29], $0x190  }
0x14e: {  	[sflag:s29] =	ssyncset.done $0x0  }
0x14f: {  	[sflag:s29] =	ssyncadd.s32 $0xFFFFFE70  }
0x150: {  	v2 =	vld.msk [tilespmem:$0x19960 ss:$0x0], $0xffff;
	_ =	sdelay $0x4  }
0x151: {  	v2 =	vadd.s32 v1, v2;
	_ =	sdelay $0x2  }
0x152: {  	s0 =	sld [smem:$0x7F7];
	_ =	sdelay $0x1  }
0x153: {  	s31 =	sld [smem:$0x7F8];
	[tilespmem:v2+s22+$0x0] =	vst.idx.add.f32.msk $0xffff, v0  }
0x154: {  	[tilespmem:s17], [sflag:$0x7] =	stream.strided.gather [hbm4b:s0+s4], $0x3200, s5, s4, $0x38;
	[tilespmem:$0x19FB0] =	vst v63  }
0x155: {  	_ = 	snop  }
0x156: {  	[tilespmem:s18], [sflag:$0x7] =	stream.linear.gather [hbm4b:s31+s2], $0x190, $0x38;
	[tilespmem:$0x19FB0] =	vst v63  }
0x157: {  	_ =	swait.ge [sflag:s30], $0x3200  }
0x158: {  	[sflag:s30] =	ssyncset.done $0x0  }
0x159: {  	[sflag:s30] =	ssyncadd.s32 $0xFFFFCE00  }
0x15a: {  	_ =	swait.ge [sflag:s30], $0x190  }
0x15b: {  	[sflag:s30] =	ssyncset.done $0x0  }
0x15c: {  	[sflag:s30] =	ssyncadd.s32 $0xFFFFFE70  }
0x15d: {  	v2 =	vld.msk [tilespmem:$0x19AF0 ss:$0x0], $0xffff;
	_ =	sdelay $0x4  }
0x15e: {  	v2 =	vadd.s32 v1, v2;
	_ =	sdelay $0x2  }
0x15f: {  	s0 =	sld [smem:$0x7F9];
	_ =	sdelay $0x1  }
0x160: {  	s31 =	sld [smem:$0x7FA];
	[tilespmem:v2+s22+$0x0] =	vst.idx.add.f32.msk $0xffff, v0  }
0x161: {  	[tilespmem:s19], [sflag:$0x8] =	stream.strided.gather [hbm4b:s0+s4], $0x3200, s5, s4, $0x38;
	[tilespmem:$0x19FB0] =	vst v63  }
0x162: {  	_ = 	snop  }
0x163: {  	[tilespmem:s20], [sflag:$0x8] =	stream.linear.gather [hbm4b:s31+s2], $0x190, $0x38;
	[tilespmem:$0x19FB0] =	vst v63  }
0x164: {  	_ =	swait.ge [sflag:s21], $0x3200  }
0x165: {  	[sflag:s21] =	ssyncset.done $0x0  }
0x166: {  	[sflag:s21] =	ssyncadd.s32 $0xFFFFCE00  }
0x167: {  	_ =	swait.ge [sflag:s21], $0x190  }
0x168: {  	[sflag:s21] =	ssyncset.done $0x0  }
0x169: {  	[sflag:s21] =	ssyncadd.s32 $0xFFFFFE70  }
0x16a: {  	v2 =	vld.msk [tilespmem:$0x19000 ss:$0x0], $0xffff;
	_ =	sdelay $0x4  }
0x16b: {  	v2 =	vadd.s32 v1, v2;
	_ =	sdelay $0x2  }
0x16c: {  	s0 =	sld [smem:$0x7FB];
	_ =	sdelay $0x1  }
0x16d: {  	s31 =	sld [smem:$0x7FC];
	[tilespmem:v2+s22+$0x0] =	vst.idx.add.f32.msk $0xffff, v0  }
0x16e: {  	[tilespmem:s2], [sflag:$0x1] =	stream.strided.gather [hbm4b:s0+s4], $0x3200, s5, s4, $0x38;
	[tilespmem:$0x19FB0] =	vst v63  }
0x16f: {  	_ = 	snop  }
0x170: {  	[tilespmem:s6], [sflag:$0x1] =	stream.linear.gather [hbm4b:s31+s2], $0x190, $0x38;
	[tilespmem:$0x19FB0] =	vst v63  }
0x171: {  	_ =	swait.ge [sflag:s23], $0x3200  }
0x172: {  	[sflag:s23] =	ssyncset.done $0x0  }
0x173: {  	[sflag:s23] =	ssyncadd.s32 $0xFFFFCE00  }
0x174: {  	_ =	swait.ge [sflag:s23], $0x190  }
0x175: {  	[sflag:s23] =	ssyncset.done $0x0  }
0x176: {  	[sflag:s23] =	ssyncadd.s32 $0xFFFFFE70  }
0x177: {  	v2 =	vld.msk [tilespmem:$0x19190 ss:$0x0], $0xffff;
	_ =	sdelay $0x4  }
0x178: {  	v2 =	vadd.s32 v1, v2;
	_ =	sdelay $0x4  }
0x179: {  	[tilespmem:v2+s22+$0x0] =	vst.idx.add.f32.msk $0xffff, v0  }
0x17a: {  	_ =	swait.ge [sflag:s24], $0x3200  }
0x17b: {  	[sflag:s24] =	ssyncset.done $0x0  }
0x17c: {  	[sflag:s24] =	ssyncadd.s32 $0xFFFFCE00  }
0x17d: {  	_ =	swait.ge [sflag:s24], $0x190  }
0x17e: {  	[sflag:s24] =	ssyncset.done $0x0  }
0x17f: {  	[sflag:s24] =	ssyncadd.s32 $0xFFFFFE70  }
0x180: {  	v2 =	vld.msk [tilespmem:$0x19320 ss:$0x0], $0xffff;
	_ =	sdelay $0x4  }
0x181: {  	v2 =	vadd.s32 v1, v2;
	_ =	sdelay $0x4  }
0x182: {  	[tilespmem:v2+s22+$0x0] =	vst.idx.add.f32.msk $0xffff, v0  }
0x183: {  	_ =	swait.ge [sflag:s25], $0x3200  }
0x184: {  	[sflag:s25] =	ssyncset.done $0x0  }
0x185: {  	[sflag:s25] =	ssyncadd.s32 $0xFFFFCE00  }
0x186: {  	_ =	swait.ge [sflag:s25], $0x190  }
0x187: {  	[sflag:s25] =	ssyncset.done $0x0  }
0x188: {  	[sflag:s25] =	ssyncadd.s32 $0xFFFFFE70  }
0x189: {  	v2 =	vld.msk [tilespmem:$0x194B0 ss:$0x0], $0xffff;
	_ =	sdelay $0x4  }
0x18a: {  	v2 =	vadd.s32 v1, v2;
	_ =	sdelay $0x4  }
0x18b: {  	[tilespmem:v2+s22+$0x0] =	vst.idx.add.f32.msk $0xffff, v0  }
0x18c: {  	_ =	swait.ge [sflag:s26], $0x3200  }
0x18d: {  	[sflag:s26] =	ssyncset.done $0x0  }
0x18e: {  	[sflag:s26] =	ssyncadd.s32 $0xFFFFCE00  }
0x18f: {  	_ =	swait.ge [sflag:s26], $0x190  }
0x190: {  	[sflag:s26] =	ssyncset.done $0x0  }
0x191: {  	[sflag:s26] =	ssyncadd.s32 $0xFFFFFE70  }
0x192: {  	v2 =	vld.msk [tilespmem:$0x19640 ss:$0x0], $0xffff;
	_ =	sdelay $0x4  }
0x193: {  	v2 =	vadd.s32 v1, v2;
	_ =	sdelay $0x4  }
0x194: {  	[tilespmem:v2+s22+$0x0] =	vst.idx.add.f32.msk $0xffff, v0  }
0x195: {  	_ =	swait.ge [sflag:s28], $0x3200  }
0x196: {  	[sflag:s28] =	ssyncset.done $0x0  }
0x197: {  	[sflag:s28] =	ssyncadd.s32 $0xFFFFCE00  }
0x198: {  	_ =	swait.ge [sflag:s28], $0x190  }
0x199: {  	[sflag:s28] =	ssyncset.done $0x0  }
0x19a: {  	[sflag:s28] =	ssyncadd.s32 $0xFFFFFE70  }
0x19b: {  	v2 =	vld.msk [tilespmem:$0x197D0 ss:$0x0], $0xffff;
	_ =	sdelay $0x4  }
0x19c: {  	v2 =	vadd.s32 v1, v2;
	_ =	sdelay $0x4  }
0x19d: {  	[tilespmem:v2+s22+$0x0] =	vst.idx.add.f32.msk $0xffff, v0  }
0x19e: {  	_ =	swait.ge [sflag:s29], $0x3200  }
0x19f: {  	[sflag:s29] =	ssyncset.done $0x0  }
0x1a0: {  	[sflag:s29] =	ssyncadd.s32 $0xFFFFCE00  }
0x1a1: {  	_ =	swait.ge [sflag:s29], $0x190  }
0x1a2: {  	[sflag:s29] =	ssyncset.done $0x0  }
0x1a3: {  	[sflag:s29] =	ssyncadd.s32 $0xFFFFFE70  }
0x1a4: {  	v2 =	vld.msk [tilespmem:$0x19960 ss:$0x0], $0xffff;
	_ =	sdelay $0x4  }
0x1a5: {  	v2 =	vadd.s32 v1, v2;
	_ =	sdelay $0x4  }
0x1a6: {  	[tilespmem:v2+s22+$0x0] =	vst.idx.add.f32.msk $0xffff, v0  }
0x1a7: {  	_ =	swait.ge [sflag:s30], $0x3200  }
0x1a8: {  	[sflag:s30] =	ssyncset.done $0x0  }
0x1a9: {  	[sflag:s30] =	ssyncadd.s32 $0xFFFFCE00  }
0x1aa: {  	_ =	swait.ge [sflag:s30], $0x190  }
0x1ab: {  	[sflag:s30] =	ssyncset.done $0x0  }
0x1ac: {  	[sflag:s30] =	ssyncadd.s32 $0xFFFFFE70  }
0x1ad: {  	v2 =	vld.msk [tilespmem:$0x19AF0 ss:$0x0], $0xffff;
	_ =	sdelay $0x4  }
0x1ae: {  	v2 =	vadd.s32 v1, v2;
	_ =	sdelay $0x4  }
0x1af: {  	[tilespmem:v2+s22+$0x0] =	vst.idx.add.f32.msk $0xffff, v0  }
0x1b0: {  	_ =	swait.ge [sflag:s21], $0x3200  }
0x1b1: {  	[sflag:s21] =	ssyncset.done $0x0  }
0x1b2: {  	[sflag:s21] =	ssyncadd.s32 $0xFFFFCE00  }
0x1b3: {  	_ =	swait.ge [sflag:s21], $0x190  }
0x1b4: {  	[sflag:s21] =	ssyncset.done $0x0  }
0x1b5: {  	[sflag:s21] =	ssyncadd.s32 $0xFFFFFE70  }
0x1b6: {  	v2 =	vld.msk [tilespmem:$0x19000 ss:$0x0], $0xffff;
	_ =	sdelay $0x4  }
0x1b7: {  	v2 =	vadd.s32 v1, v2;
	_ =	sdelay $0x4  }
0x1b8: {  	[tilespmem:v2+s22+$0x0] =	vst.idx.add.f32.msk $0xffff, v0  }
0x1b9: {  	v2 =	vld [tilespmem:$0x19C80]  }
0x1ba: {  	v3 =	vld [tilespmem:$0x19D80]  }
0x1bb: {  	v4 =	vld [tilespmem:$0x19E80]  }
0x1bc: {  	v5 =	vld [tilespmem:$0x19C90]  }
0x1bd: {  	v6 =	vld [tilespmem:$0x19D90]  }
0x1be: {  	v7 =	vld [tilespmem:$0x19E90]  }
0x1bf: {  	v8 =	vld [tilespmem:$0x19CA0]  }
0x1c0: {  	v9 =	vld [tilespmem:$0x19DA0]  }
0x1c1: {  	v10 =	vld [tilespmem:$0x19EA0]  }
0x1c2: {  	v11 =	vld [tilespmem:$0x19CB0]  }
0x1c3: {  	v12 =	vld [tilespmem:$0x19DB0]  }
0x1c4: {  	v13 =	vld [tilespmem:$0x19EB0]  }
0x1c5: {  	v14 =	vld [tilespmem:$0x19CC0]  }
0x1c6: {  	v15 =	vld [tilespmem:$0x19DC0]  }
0x1c7: {  	v16 =	vld [tilespmem:$0x19EC0]  }
0x1c8: {  	v17 =	vld [tilespmem:$0x19CD0]  }
0x1c9: {  	v18 =	vld [tilespmem:$0x19DD0]  }
0x1ca: {  	v19 =	vld [tilespmem:$0x19ED0]  }
0x1cb: {  	v20 =	vld [tilespmem:$0x19CE0]  }
0x1cc: {  	v21 =	vld [tilespmem:$0x19DE0]  }
0x1cd: {  	v22 =	vld [tilespmem:$0x19EE0];
	v4 =	vadd.f32 $0.0e+00, v4  }
0x1ce: {  	v23 =	vld [tilespmem:$0x19CF0];
	v2 =	vadd.f32 $0.0e+00, v2  }
0x1cf: {  	v38 =	vld [tilespmem:$0x19DF0];
	v3 =	vadd.f32 $0.0e+00, v3;
	v4 =	vadd.f32 v7, v4  }
0x1d0: {  	v39 =	vld [tilespmem:$0x19EF0];
	v2 =	vadd.f32 v5, v2  }
0x1d1: {  	v40 =	vld [tilespmem:$0x19D00];
	v3 =	vadd.f32 v6, v3;
	v4 =	vadd.f32 v10, v4  }
0x1d2: {  	v41 =	vld [tilespmem:$0x19E00];
	v2 =	vadd.f32 v8, v2  }
0x1d3: {  	v42 =	vld [tilespmem:$0x19F00];
	v3 =	vadd.f32 v9, v3;
	v4 =	vadd.f32 v13, v4  }
0x1d4: {  	v43 =	vld [tilespmem:$0x19D10];
	v2 =	vadd.f32 v11, v2  }
0x1d5: {  	v44 =	vld [tilespmem:$0x19E10];
	v3 =	vadd.f32 v12, v3;
	v4 =	vadd.f32 v16, v4  }
0x1d6: {  	v45 =	vld [tilespmem:$0x19F10];
	v2 =	vadd.f32 v14, v2  }
0x1d7: {  	v46 =	vld [tilespmem:$0x19D20];
	v3 =	vadd.f32 v15, v3;
	v4 =	vadd.f32 v19, v4  }
0x1d8: {  	v47 =	vld [tilespmem:$0x19E20];
	v2 =	vadd.f32 v17, v2  }
0x1d9: {  	v48 =	vld [tilespmem:$0x19F20];
	v3 =	vadd.f32 v18, v3;
	v4 =	vadd.f32 v22, v4  }
0x1da: {  	v49 =	vld [tilespmem:$0x19D30];
	v2 =	vadd.f32 v20, v2  }
0x1db: {  	v50 =	vld [tilespmem:$0x19E30];
	v3 =	vadd.f32 v21, v3;
	v4 =	vadd.f32 v39, v4  }
0x1dc: {  	v51 =	vld [tilespmem:$0x19F30];
	v2 =	vadd.f32 v23, v2  }
0x1dd: {  	v52 =	vld [tilespmem:$0x19D40];
	v3 =	vadd.f32 v38, v3;
	v4 =	vadd.f32 v42, v4  }
0x1de: {  	v53 =	vld [tilespmem:$0x19E40];
	v2 =	vadd.f32 v40, v2  }
0x1df: {  	v54 =	vld [tilespmem:$0x19F40];
	v3 =	vadd.f32 v41, v3;
	v4 =	vadd.f32 v45, v4  }
0x1e0: {  	v55 =	vld [tilespmem:$0x19D50];
	v2 =	vadd.f32 v43, v2  }
0x1e1: {  	v56 =	vld [tilespmem:$0x19E50];
	v3 =	vadd.f32 v44, v3;
	v4 =	vadd.f32 v48, v4  }
0x1e2: {  	v57 =	vld [tilespmem:$0x19F50];
	v2 =	vadd.f32 v46, v2  }
0x1e3: {  	v58 =	vld [tilespmem:$0x19D60];
	v3 =	vadd.f32 v47, v3;
	v4 =	vadd.f32 v51, v4  }
0x1e4: {  	v59 =	vld [tilespmem:$0x19F60];
	v2 =	vadd.f32 v49, v2  }
0x1e5: {  	v60 =	vld [tilespmem:$0x19E60];
	v3 =	vadd.f32 v50, v3;
	v4 =	vadd.f32 v54, v4  }
0x1e6: {  	v61 =	vld [tilespmem:$0x19F70];
	v2 =	vadd.f32 v52, v2  }
0x1e7: {  	v62 =	vld [tilespmem:$0x19D70];
	v3 =	vadd.f32 v53, v3;
	v4 =	vadd.f32 v57, v4  }
0x1e8: {  	v63 =	vld [tilespmem:$0x19E70];
	v2 =	vadd.f32 v55, v2  }
0x1e9: {  	v3 =	vadd.f32 v56, v3;
	v4 =	vadd.f32 v59, v4  }
0x1ea: {  	v2 =	vadd.f32 v58, v2  }
0x1eb: {  	v3 =	vadd.f32 v60, v3;
	v4 =	vadd.f32 v61, v4  }
0x1ec: {  	v2 =	vadd.f32 v62, v2  }
0x1ed: {  	s0 =	sld [smem:$0x7FD];
	v3 =	vadd.f32 v63, v3;
	[tilespmem:$0x19F80] =	vst v4  }
0x1ee: {  	p0 =	sne.s32 s3, $0x1;
	[tilespmem:$0x19F90] =	vst v2  }
.Ltmp0:
0x1ef: {  	s31 =	simm.s32 $0x19F80;
	[tilespmem:$0x19FA0] =	vst v3;
	(pc) =	sbr.rel @p0 .LBB2_1-.Ltmp0, $4  }
0x1f0: {  	[hbm4b:s0+s2] =	stream.linear.scatter [tilespmem:s31], [sflag:$0x9], $0x30, $0x38;
	[tilespmem:$0x19FB0] =	vst v63  }
0x1f1: {  	_ =	swait.ge [sflag:s1], $0x30  }
0x1f2: {  	[sflag:s1] =	ssyncset.done $0x0  }
0x1f3: {  	s3 =	sadd.s32 $0xFFFFFFFF, s3;
	[sflag:s1] =	ssyncadd.s32 $0xFFFFFFD0  }
0x1f4: {  	_ =	sfence.sel $0x180000  }
0x1f5: {  	[bflag:$0x0] =	sbarrier.arrive $0xFFFF  }
0x1f6: {  	_ =	strace $0x90000047  }
0x1f7: {  	s0 =	stileid.u32;
	[bflag:$0x2] =	sbarrier.arrive $0xFFFF  }
0x1f8: {  	p0 =	sne.s32 s0, $0x0;
	s0 =	rddreg [dreg:$0x3]  }
0x1f9: {  	s0 =	sadd.s32 @!p0 $0x100000, s0  }
0x1fa: {  	[sflag:s0] =	ssyncadd.tile.s32 @!p0 $0x1;
	_ =	shalt  }
.Lfunc_end2:
_tile_overlayer_lowered:
.L_overlay_start_2:
0x1fb: {  	(tag) =	ssettag $0x2  }
0x1fc: {  	s0 =	rddreg [dreg:$0x0];
	s2 =	stileid.u32  }
0x1fd: {  	s1 =	rddreg [dreg:$0x1];
	p0 =	sne.s32 s2, $0x0  }
0x1fe: {  	s3 =	rddreg [dreg:$0x2];
	[bflag:$0x3] =	sbarrier.arrive $0xFFFF;
	s2 =	simm.s32 @!p0 $0x1C09  }
0x1ff: {  	[timem:s3], [sflag:s2] =	dma.local @!p0 [hbm:s0], s1  }
0x200: {  	s0 =	simm.s32 @!p0 $0x9  }
0x201: {  	_ =	swait.ge @!p0 [sflag:s0], s1  }
0x202: {  	s1 =	ssub.s32 @!p0 $0x0, s1;
	[sflag:s0] =	ssyncset.done @!p0 $0x0  }
0x203: {  	[sflag:s0] =	ssyncadd.s32 @!p0 s1  }
0x204: {  	[bflag:$0x3] =	sbarrier.arrive $0xFFFF  }
0x205: {  	_ =	shalt  }

</sc_bundles>
